<compile_context>
chip_gen: v7x
topology: tpu7x:2x2x1
jax: 0.10.2.dev20260603
libtpu: 0.0.44.dev20260713+nightly
codegen_flags: <defaults>
</compile_context>

<pallas_src>
import functools
import math

import jax
import jax.numpy as jnp
from jax import lax
from jax.experimental import pallas as pl
from jax.experimental.pallas import tpu as pltpu
from jax.experimental.pallas import tpu_sc as plsc

E = 16
D = 768
T = 2048
R = 16
C = 128
B = 192
NB = T // B + E - 1
P = NB * B
NW = 32
CH = T // NW


def _gate_body(x_ref, wg_ref, pos_ref, blk_ref, nv_ref):
    x3 = x_ref[...]
    wg = wg_ref[...]
    logits = lax.dot_general(
        x3, wg, (((2,), (1,)), ((), ())),
        precision=lax.Precision.DEFAULT,
        preferred_element_type=jnp.float32)
    m = jnp.max(logits, axis=2, keepdims=True)
    iota_e = lax.broadcasted_iota(jnp.int32, (R, C, E), 2)
    eid = jnp.min(jnp.where(logits >= m, iota_e, E), axis=2, keepdims=True)
    onehot = (iota_e == eid).astype(jnp.float32)

    colsum = jnp.sum(onehot, axis=0)
    l128 = (lax.broadcasted_iota(jnp.int32, (C, C), 0) >
            lax.broadcasted_iota(jnp.int32, (C, C), 1)).astype(jnp.bfloat16)
    prefix_c = lax.dot_general(
        l128, colsum.astype(jnp.bfloat16),
        (((1,), (0,)), ((), ())),
        preferred_element_type=jnp.float32)

    counts = jnp.sum(colsum, axis=0, keepdims=True)
    nblk = (counts.astype(jnp.int32) + (B - 1)) // B
    u16 = (lax.broadcasted_iota(jnp.int32, (E, E), 0) <
           lax.broadcasted_iota(jnp.int32, (E, E), 1)).astype(jnp.bfloat16)
    blkstart = lax.dot_general(
        nblk.astype(jnp.bfloat16), u16,
        (((1,), (0,)), ((), ())),
        preferred_element_type=jnp.float32)
    start_tok = blkstart * float(B)

    acc = jnp.zeros((1, C, E), jnp.float32)
    base = prefix_c[None] + start_tok[None]
    rows = []
    for r in range(R):
        pick = jnp.sum(onehot[r:r + 1] * (acc + base), axis=2)
        rows.append(pick)
        if r + 1 < R:
            acc = acc + onehot[r:r + 1]
    pos_ref[...] = jnp.concatenate(rows, axis=0).astype(jnp.int32)

    blkstart_i = blkstart.astype(jnp.int32)
    iota_nb = lax.broadcasted_iota(jnp.int32, (NB, E), 0)
    be = jnp.sum((jnp.broadcast_to(blkstart_i, (NB, E)) <= iota_nb)
                 .astype(jnp.int32), axis=1, keepdims=True) - 1
    blk_ref[...] = be
    nv_ref[...] = jnp.sum(nblk, axis=1, keepdims=True)


def _gate(x3, wg, interpret=False):
    return pl.pallas_call(
        _gate_body,
        out_shape=(
            jax.ShapeDtypeStruct((R, C), jnp.int32),
            jax.ShapeDtypeStruct((NB, 1), jnp.int32),
            jax.ShapeDtypeStruct((1, 1), jnp.int32),
        ),
        interpret=interpret,
    )(x3, wg)


def _mlp_body(be_ref, nv_ref, xs_ref, w1_ref, b1_ref, w2_ref, b2_ref, o_ref):
    j = pl.program_id(0)

    @pl.when(j < nv_ref[0, 0])
    def _():
        e = be_ref[j, 0]
        h = lax.dot_general(xs_ref[...], w1_ref[0],
                            (((1,), (1,)), ((), ())),
                            precision=lax.Precision.DEFAULT,
                            preferred_element_type=jnp.float32)
        h = h + b1_ref[pl.ds(e, 1), :]
        h = 0.5 * h * (1.0 + lax.erf(h * (1.0 / math.sqrt(2.0))))
        o = lax.dot_general(h, w2_ref[0],
                            (((1,), (1,)), ((), ())),
                            precision=lax.Precision.DEFAULT,
                            preferred_element_type=jnp.float32)
        o_ref[...] = o + b2_ref[pl.ds(e, 1), :]


def _mlp(be, nv, xs, w1, b1, w2, b2, interpret=False):
    grid_spec = pltpu.PrefetchScalarGridSpec(
        num_scalar_prefetch=2,
        grid=(NB,),
        in_specs=[
            pl.BlockSpec((B, D),
                         lambda j, be, nv: (jnp.where(j < nv[0, 0], j, 0), 0)),
            pl.BlockSpec((1, D, D), lambda j, be, nv: (be[j, 0], 0, 0)),
            pl.BlockSpec((E, D), lambda j, be, nv: (0, 0)),
            pl.BlockSpec((1, D, D), lambda j, be, nv: (be[j, 0], 0, 0)),
            pl.BlockSpec((E, D), lambda j, be, nv: (0, 0)),
        ],
        out_specs=pl.BlockSpec((B, D),
                               lambda j, be, nv: (jnp.minimum(j, nv[0, 0]), 0)),
    )
    return pl.pallas_call(
        _mlp_body,
        grid_spec=grid_spec,
        out_shape=jax.ShapeDtypeStruct((P, D), jnp.float32),
        compiler_params=pltpu.CompilerParams(
            dimension_semantics=("arbitrary",)),
        interpret=interpret,
    )(be, nv, xs, w1, b1, w2, b2)


@functools.lru_cache(maxsize=None)
def _sc_kernels():
    mesh = plsc.VectorSubcoreMesh(core_axis_name="c", subcore_axis_name="s")

    @functools.partial(
        pl.kernel, mesh=mesh,
        out_type=jax.ShapeDtypeStruct((P, D), jnp.float32),
        scratch_types=[
            pltpu.VMEM((CH,), jnp.int32),
            pltpu.VMEM((CH, D), jnp.float32),
            pltpu.SemaphoreType.DMA,
        ],
    )
    def dispatch(x_hbm, pos_hbm, xs_hbm, idx_v, rows_v, sem):
        wid = lax.axis_index("s") * 2 + lax.axis_index("c")
        r, c0 = wid // (C // CH), (wid % (C // CH)) * CH
        pltpu.sync_copy(pos_hbm.at[r, pl.ds(c0, CH)], idx_v)
        pltpu.sync_copy(x_hbm.at[r, pl.ds(c0, CH)], rows_v)
        pltpu.async_copy(rows_v, xs_hbm.at[idx_v], sem).wait()

    @functools.partial(
        pl.kernel, mesh=mesh,
        out_type=jax.ShapeDtypeStruct((1, T, D), jnp.float32),
        scratch_types=[
            pltpu.VMEM((CH,), jnp.int32),
            pltpu.VMEM((CH, D), jnp.float32),
            pltpu.SemaphoreType.DMA,
        ],
    )
    def combine(ys_hbm, pos_hbm, y_hbm, idx_v, rows_v, sem):
        wid = lax.axis_index("s") * 2 + lax.axis_index("c")
        r, c0 = wid // (C // CH), (wid % (C // CH)) * CH
        pltpu.sync_copy(pos_hbm.at[r, pl.ds(c0, CH)], idx_v)
        pltpu.async_copy(ys_hbm.at[idx_v], rows_v, sem).wait()
        pltpu.sync_copy(rows_v, y_hbm.at[0, pl.ds(wid * CH, CH)])

    return dispatch, combine


def kernel(x, Wg, W1, b1, W2, b2):
    orig_shape = x.shape
    xf = x.reshape(T, D)
    pos2, be2, nv2 = _gate(xf.reshape(R, C, D), Wg)
    dispatch, combine = _sc_kernels()
    xs = dispatch(xf.reshape(R, C, D), pos2)
    ys = _mlp(be2, nv2, xs, W1, b1, W2, b2)
    y = combine(ys, pos2)
    return y.reshape(orig_shape)

# --- scband reference (transcript-rebuilt; emitter-appended) ---
"""Pipeline reference for scband-moe-mlp-15247133900829 (READ-ONLY COPY).

The authoritative reference and input builder live on the scoring server;
editing this copy changes nothing except your own understanding.
"""

import jax, jax.numpy as jnp
import numpy as np

E = 16
TOP_K = 1
D_MODEL = 768

def setup_inputs(seed: int = 0) -> dict:
    key = jax.random.key(seed)
    ks = jax.random.split(key, 5)
    x = jax.random.normal(ks[0], (1, 2048, D_MODEL), dtype=jnp.float32)
    Wg = jax.random.normal(ks[1], (E, D_MODEL), dtype=jnp.float32) * 0.02
    W1 = jax.random.normal(ks[2], (E, D_MODEL, D_MODEL), dtype=jnp.float32) * 0.02
    b1 = jnp.zeros((E, D_MODEL), dtype=jnp.float32)
    W2 = jax.random.normal(ks[3], (E, D_MODEL, D_MODEL), dtype=jnp.float32) * 0.02
    b2 = jnp.zeros((E, D_MODEL), dtype=jnp.float32)
    return {"x": x, "Wg": Wg, "W1": W1, "b1": b1, "W2": W2, "b2": b2}

def reference(x, Wg, W1, b1, W2, b2):
    # taskid = 0: use the single gate weight Wg (torch Linear, no bias)
    orig_shape = x.shape
    xf = x.reshape(-1, orig_shape[-1])                      # [T, d]
    scores = jax.nn.softmax(xf @ Wg.T, axis=-1)             # [T, E]
    expert_weights, expert_indices = jax.lax.top_k(scores, TOP_K)  # [T, k]
    expert_weights = jax.nn.softmax(expert_weights, axis=-1)
    flat_idx = expert_indices.reshape(-1)                   # [T*k]
    xr = jnp.repeat(xf, TOP_K, axis=0)                      # [T*k, d]
    y = jnp.zeros_like(xr)
    for i in range(E):
        # Mlp: fc1 -> GELU(exact) -> fc2 (dropout p=0 is identity)
        h = jax.nn.gelu(xr @ W1[i].T + b1[i], approximate=False)
        out_i = h @ W2[i].T + b2[i]
        y = jnp.where((flat_idx == i)[:, None], out_i, y)
    y = (y.reshape(expert_weights.shape[0], TOP_K, -1) * expert_weights[:, :, None]).sum(axis=1)
    return y.reshape(orig_shape)

if __name__ == "__main__":
    import jax
    _d = setup_inputs()
    print(jax.jit(kernel)(*tuple(_d.values())))

</pallas_src>

<mosaic_0001>
#map = affine_map<(d0, d1) -> (0, 0, 0)>
#map1 = affine_map<(d0, d1) -> (0, 0)>
module attributes {stable_mosaic.version = 14 : i64} {
  func.func @dispatch(%arg0: i32, %arg1: i32, %arg2: memref<16x128x768xf32, #tpu.memory_space<hbm>>, %arg3: memref<16x128xi32, #tpu.memory_space<hbm>>, %arg4: memref<4800x768xf32, #tpu.memory_space<hbm>>, %arg5: memref<64xi32, #tpu.memory_space<vmem>>, %arg6: memref<64x768xf32, #tpu.memory_space<vmem>>, %arg7: memref<!tpu.dma_semaphore, #tpu.memory_space<semaphore_mem>>) attributes {dimension_semantics = [#tpu.dimension_semantics<core_parallel>, #tpu.dimension_semantics<subcore_parallel>], iteration_bounds = array<i64: 2, 16>, scalar_prefetch = 0 : i64, scratch_operands = 3 : i64, tpu.core_type = #tpu.core_type<sc_vector_subcore>, window_params = [{transform_indices = #map}, {transform_indices = #map1}, {transform_indices = #map1}]} {
    %mul3A = arith.constant 2 : i32
    %mul3A_0 = arith.muli %arg1, %mul3A : i32
    %add3A = arith.addi %mul3A_0, %arg0 : i32
    %jit3A = arith.constant 2 : i32
    %div3A = arith.divsi %add3A, %jit3A : i32
    %sign3A = arith.constant 0 : i32
    %sign3A_1 = arith.cmpi sgt, %add3A, %sign3A : i32
    %sign3A_2 = arith.extui %sign3A_1 : i1 to i32
    %sign3A_3 = arith.constant 0 : i32
    %sign3A_4 = arith.cmpi slt, %add3A, %sign3A_3 : i32
    %sign3A_5 = arith.extui %sign3A_4 : i1 to i32
    %sign3A_6 = arith.subi %sign3A_2, %sign3A_5 : i32
    %sign3A_7 = arith.constant 0 : i32
    %sign3A_8 = arith.cmpi sgt, %jit3A, %sign3A_7 : i32
    %sign3A_9 = arith.extui %sign3A_8 : i1 to i32
    %sign3A_10 = arith.constant 0 : i32
    %sign3A_11 = arith.cmpi slt, %jit3A, %sign3A_10 : i32
    %sign3A_12 = arith.extui %sign3A_11 : i1 to i32
    %sign3A_13 = arith.subi %sign3A_9, %sign3A_12 : i32
    %ne3A = arith.cmpi ne, %sign3A_6, %sign3A_13 : i32
    %rem3A = arith.remsi %add3A, %jit3A : i32
    %ne3A_14 = arith.constant 0 : i32
    %ne3A_15 = arith.cmpi ne, %rem3A, %ne3A_14 : i32
    %and3A = arith.andi %ne3A, %ne3A_15 : i1
    %sub3A = arith.constant 1 : i32
    %sub3A_16 = arith.subi %div3A, %sub3A : i32
    %select_n3A = arith.select %and3A, %sub3A_16, %div3A : i32
    %jit3A_17 = arith.constant 2 : i32
    %eq3A = arith.constant 0 : i32
    %eq3A_18 = arith.cmpi eq, %jit3A_17, %eq3A : i32
    %jit3A_19 = arith.constant 1 : i32
    %select_n3A_20 = arith.select %eq3A_18, %jit3A_19, %jit3A_17 : i32
    %rem3A_21 = arith.remsi %add3A, %select_n3A_20 : i32
    %ne3A_22 = arith.constant 0 : i32
    %ne3A_23 = arith.cmpi ne, %rem3A_21, %ne3A_22 : i32
    %lt3A = arith.constant 0 : i32
    %lt3A_24 = arith.cmpi slt, %rem3A_21, %lt3A : i32
    %lt3A_25 = arith.constant 0 : i32
    %lt3A_26 = arith.cmpi slt, %select_n3A_20, %lt3A_25 : i32
    %ne3A_27 = arith.xori %lt3A_24, %lt3A_26 : i1
    %and3A_28 = arith.andi %ne3A_27, %ne3A_23 : i1
    %add3A_29 = arith.addi %rem3A_21, %select_n3A_20 : i32
    %select_n3A_30 = arith.select %and3A_28, %add3A_29, %rem3A_21 : i32
    %mul3A_31 = arith.constant 64 : i32
    %mul3A_32 = arith.muli %select_n3A_30, %mul3A_31 : i32
    "tpu.region"() ({
      %run_scoped3A = tpu.sem_alloc : memref<!tpu.dma_semaphore, #tpu.memory_space<semaphore_mem>>
      %dma_start3A_37 = tpu.memref_slice %arg3[%select_n3A, %mul3A_32] : memref<16x128xi32, #tpu.memory_space<hbm>> -> memref<1x64xi32, #tpu.memory_space<hbm>>
      %dma_start3A_38 = tpu.memref_squeeze %dma_start3A_37 : memref<1x64xi32, #tpu.memory_space<hbm>> -> memref<64xi32, #tpu.memory_space<hbm>>
      %dma_start3A_39 = tpu.memref_slice %arg3[%select_n3A, %mul3A_32] : memref<16x128xi32, #tpu.memory_space<hbm>> -> memref<1x64xi32, #tpu.memory_space<hbm>>
      %dma_start3A_40 = tpu.memref_squeeze %dma_start3A_39 : memref<1x64xi32, #tpu.memory_space<hbm>> -> memref<64xi32, #tpu.memory_space<hbm>>
      tpu.enqueue_dma source(%dma_start3A_40 : memref<64xi32, #tpu.memory_space<hbm>>) target(%arg5 : memref<64xi32, #tpu.memory_space<vmem>>) target_semaphore(%run_scoped3A : memref<!tpu.dma_semaphore, #tpu.memory_space<semaphore_mem>>)
      %dma_wait3A_41 = tpu.memref_slice %arg3[%select_n3A, %mul3A_32] : memref<16x128xi32, #tpu.memory_space<hbm>> -> memref<1x64xi32, #tpu.memory_space<hbm>>
      %dma_wait3A_42 = tpu.memref_squeeze %dma_wait3A_41 : memref<1x64xi32, #tpu.memory_space<hbm>> -> memref<64xi32, #tpu.memory_space<hbm>>
      %dma_wait3A_43 = tpu.memref_slice %arg3[%select_n3A, %mul3A_32] : memref<16x128xi32, #tpu.memory_space<hbm>> -> memref<1x64xi32, #tpu.memory_space<hbm>>
      %dma_wait3A_44 = tpu.memref_squeeze %dma_wait3A_43 : memref<1x64xi32, #tpu.memory_space<hbm>> -> memref<64xi32, #tpu.memory_space<hbm>>
      tpu.wait_dma2 semaphore(%run_scoped3A : memref<!tpu.dma_semaphore, #tpu.memory_space<semaphore_mem>>) src(%dma_wait3A_44 : memref<64xi32, #tpu.memory_space<hbm>>) dst(%arg5 : memref<64xi32, #tpu.memory_space<vmem>>)
      tpu.yield
    }) : () -> ()
    "tpu.region"() ({
      %run_scoped3A = tpu.sem_alloc : memref<!tpu.dma_semaphore, #tpu.memory_space<semaphore_mem>>
      %dma_start3A_37 = arith.constant 0 : i32
      %dma_start3A_38 = tpu.memref_slice %arg2[%select_n3A, %mul3A_32, %dma_start3A_37] : memref<16x128x768xf32, #tpu.memory_space<hbm>> -> memref<1x64x768xf32, #tpu.memory_space<hbm>>
      %dma_start3A_39 = tpu.memref_squeeze %dma_start3A_38 : memref<1x64x768xf32, #tpu.memory_space<hbm>> -> memref<64x768xf32, #tpu.memory_space<hbm>>
      %dma_start3A_40 = arith.constant 0 : i32
      %dma_start3A_41 = tpu.memref_slice %arg2[%select_n3A, %mul3A_32, %dma_start3A_40] : memref<16x128x768xf32, #tpu.memory_space<hbm>> -> memref<1x64x768xf32, #tpu.memory_space<hbm>>
      %dma_start3A_42 = tpu.memref_squeeze %dma_start3A_41 : memref<1x64x768xf32, #tpu.memory_space<hbm>> -> memref<64x768xf32, #tpu.memory_space<hbm>>
      tpu.enqueue_dma source(%dma_start3A_42 : memref<64x768xf32, #tpu.memory_space<hbm>>) target(%arg6 : memref<64x768xf32, #tpu.memory_space<vmem>>) target_semaphore(%run_scoped3A : memref<!tpu.dma_semaphore, #tpu.memory_space<semaphore_mem>>)
      %dma_wait3A_43 = arith.constant 0 : i32
      %dma_wait3A_44 = tpu.memref_slice %arg2[%select_n3A, %mul3A_32, %dma_wait3A_43] : memref<16x128x768xf32, #tpu.memory_space<hbm>> -> memref<1x64x768xf32, #tpu.memory_space<hbm>>
      %dma_wait3A_45 = tpu.memref_squeeze %dma_wait3A_44 : memref<1x64x768xf32, #tpu.memory_space<hbm>> -> memref<64x768xf32, #tpu.memory_space<hbm>>
      %dma_wait3A_46 = arith.constant 0 : i32
      %dma_wait3A_47 = tpu.memref_slice %arg2[%select_n3A, %mul3A_32, %dma_wait3A_46] : memref<16x128x768xf32, #tpu.memory_space<hbm>> -> memref<1x64x768xf32, #tpu.memory_space<hbm>>
      %dma_wait3A_48 = tpu.memref_squeeze %dma_wait3A_47 : memref<1x64x768xf32, #tpu.memory_space<hbm>> -> memref<64x768xf32, #tpu.memory_space<hbm>>
      tpu.wait_dma2 semaphore(%run_scoped3A : memref<!tpu.dma_semaphore, #tpu.memory_space<semaphore_mem>>) src(%dma_wait3A_48 : memref<64x768xf32, #tpu.memory_space<hbm>>) dst(%arg6 : memref<64x768xf32, #tpu.memory_space<vmem>>)
      tpu.yield
    }) : () -> ()
    %dma_start3A = arith.constant 0 : i32
    %dma_start3A_33 = arith.constant 0 : i32
    %dma_start3A_34 = tpu.memref_slice %arg4[%dma_start3A, %dma_start3A_33] : memref<4800x768xf32, #tpu.memory_space<hbm>> -> memref<4800x768xf32, #tpu.memory_space<hbm>>
    tpu.enqueue_indirect_dma source(%arg6 : memref<64x768xf32, #tpu.memory_space<vmem>>) target(%dma_start3A_34 : memref<4800x768xf32, #tpu.memory_space<hbm>>) offsets(%arg5 : memref<64xi32, #tpu.memory_space<vmem>>) semaphore(%arg7 : memref<!tpu.dma_semaphore, #tpu.memory_space<semaphore_mem>>)
    %dma_wait3A = arith.constant 0 : i32
    %dma_wait3A_35 = arith.constant 0 : i32
    %dma_wait3A_36 = tpu.memref_slice %arg4[%dma_wait3A, %dma_wait3A_35] : memref<4800x768xf32, #tpu.memory_space<hbm>> -> memref<4800x768xf32, #tpu.memory_space<hbm>>
    tpu.wait_indirect_dma semaphore(%arg7 : memref<!tpu.dma_semaphore, #tpu.memory_space<semaphore_mem>>) src(%arg6 : memref<64x768xf32, #tpu.memory_space<vmem>>) dst(%dma_wait3A_36 : memref<4800x768xf32, #tpu.memory_space<hbm>>)
    return
  }
}

#map = affine_map<(d0, d1) -> (0, 0)>
#map1 = affine_map<(d0, d1) -> (0, 0, 0)>
module attributes {stable_mosaic.version = 14 : i64} {
  func.func @combine(%arg0: i32, %arg1: i32, %arg2: memref<4800x768xf32, #tpu.memory_space<hbm>>, %arg3: memref<16x128xi32, #tpu.memory_space<hbm>>, %arg4: memref<1x2048x768xf32, #tpu.memory_space<hbm>>, %arg5: memref<64xi32, #tpu.memory_space<vmem>>, %arg6: memref<64x768xf32, #tpu.memory_space<vmem>>, %arg7: memref<!tpu.dma_semaphore, #tpu.memory_space<semaphore_mem>>) attributes {dimension_semantics = [#tpu.dimension_semantics<core_parallel>, #tpu.dimension_semantics<subcore_parallel>], iteration_bounds = array<i64: 2, 16>, scalar_prefetch = 0 : i64, scratch_operands = 3 : i64, tpu.core_type = #tpu.core_type<sc_vector_subcore>, window_params = [{transform_indices = #map}, {transform_indices = #map}, {transform_indices = #map1}]} {
    %mul3A = arith.constant 2 : i32
    %mul3A_0 = arith.muli %arg1, %mul3A : i32
    %add3A = arith.addi %mul3A_0, %arg0 : i32
    %jit3A = arith.constant 2 : i32
    %div3A = arith.divsi %add3A, %jit3A : i32
    %sign3A = arith.constant 0 : i32
    %sign3A_1 = arith.cmpi sgt, %add3A, %sign3A : i32
    %sign3A_2 = arith.extui %sign3A_1 : i1 to i32
    %sign3A_3 = arith.constant 0 : i32
    %sign3A_4 = arith.cmpi slt, %add3A, %sign3A_3 : i32
    %sign3A_5 = arith.extui %sign3A_4 : i1 to i32
    %sign3A_6 = arith.subi %sign3A_2, %sign3A_5 : i32
    %sign3A_7 = arith.constant 0 : i32
    %sign3A_8 = arith.cmpi sgt, %jit3A, %sign3A_7 : i32
    %sign3A_9 = arith.extui %sign3A_8 : i1 to i32
    %sign3A_10 = arith.constant 0 : i32
    %sign3A_11 = arith.cmpi slt, %jit3A, %sign3A_10 : i32
    %sign3A_12 = arith.extui %sign3A_11 : i1 to i32
    %sign3A_13 = arith.subi %sign3A_9, %sign3A_12 : i32
    %ne3A = arith.cmpi ne, %sign3A_6, %sign3A_13 : i32
    %rem3A = arith.remsi %add3A, %jit3A : i32
    %ne3A_14 = arith.constant 0 : i32
    %ne3A_15 = arith.cmpi ne, %rem3A, %ne3A_14 : i32
    %and3A = arith.andi %ne3A, %ne3A_15 : i1
    %sub3A = arith.constant 1 : i32
    %sub3A_16 = arith.subi %div3A, %sub3A : i32
    %select_n3A = arith.select %and3A, %sub3A_16, %div3A : i32
    %jit3A_17 = arith.constant 2 : i32
    %eq3A = arith.constant 0 : i32
    %eq3A_18 = arith.cmpi eq, %jit3A_17, %eq3A : i32
    %jit3A_19 = arith.constant 1 : i32
    %select_n3A_20 = arith.select %eq3A_18, %jit3A_19, %jit3A_17 : i32
    %rem3A_21 = arith.remsi %add3A, %select_n3A_20 : i32
    %ne3A_22 = arith.constant 0 : i32
    %ne3A_23 = arith.cmpi ne, %rem3A_21, %ne3A_22 : i32
    %lt3A = arith.constant 0 : i32
    %lt3A_24 = arith.cmpi slt, %rem3A_21, %lt3A : i32
    %lt3A_25 = arith.constant 0 : i32
    %lt3A_26 = arith.cmpi slt, %select_n3A_20, %lt3A_25 : i32
    %ne3A_27 = arith.xori %lt3A_24, %lt3A_26 : i1
    %and3A_28 = arith.andi %ne3A_27, %ne3A_23 : i1
    %add3A_29 = arith.addi %rem3A_21, %select_n3A_20 : i32
    %select_n3A_30 = arith.select %and3A_28, %add3A_29, %rem3A_21 : i32
    %mul3A_31 = arith.constant 64 : i32
    %mul3A_32 = arith.muli %select_n3A_30, %mul3A_31 : i32
    "tpu.region"() ({
      %run_scoped3A_39 = tpu.sem_alloc : memref<!tpu.dma_semaphore, #tpu.memory_space<semaphore_mem>>
      %dma_start3A_40 = tpu.memref_slice %arg3[%select_n3A, %mul3A_32] : memref<16x128xi32, #tpu.memory_space<hbm>> -> memref<1x64xi32, #tpu.memory_space<hbm>>
      %dma_start3A_41 = tpu.memref_squeeze %dma_start3A_40 : memref<1x64xi32, #tpu.memory_space<hbm>> -> memref<64xi32, #tpu.memory_space<hbm>>
      %dma_start3A_42 = tpu.memref_slice %arg3[%select_n3A, %mul3A_32] : memref<16x128xi32, #tpu.memory_space<hbm>> -> memref<1x64xi32, #tpu.memory_space<hbm>>
      %dma_start3A_43 = tpu.memref_squeeze %dma_start3A_42 : memref<1x64xi32, #tpu.memory_space<hbm>> -> memref<64xi32, #tpu.memory_space<hbm>>
      tpu.enqueue_dma source(%dma_start3A_43 : memref<64xi32, #tpu.memory_space<hbm>>) target(%arg5 : memref<64xi32, #tpu.memory_space<vmem>>) target_semaphore(%run_scoped3A_39 : memref<!tpu.dma_semaphore, #tpu.memory_space<semaphore_mem>>)
      %dma_wait3A_44 = tpu.memref_slice %arg3[%select_n3A, %mul3A_32] : memref<16x128xi32, #tpu.memory_space<hbm>> -> memref<1x64xi32, #tpu.memory_space<hbm>>
      %dma_wait3A_45 = tpu.memref_squeeze %dma_wait3A_44 : memref<1x64xi32, #tpu.memory_space<hbm>> -> memref<64xi32, #tpu.memory_space<hbm>>
      %dma_wait3A_46 = tpu.memref_slice %arg3[%select_n3A, %mul3A_32] : memref<16x128xi32, #tpu.memory_space<hbm>> -> memref<1x64xi32, #tpu.memory_space<hbm>>
      %dma_wait3A_47 = tpu.memref_squeeze %dma_wait3A_46 : memref<1x64xi32, #tpu.memory_space<hbm>> -> memref<64xi32, #tpu.memory_space<hbm>>
      tpu.wait_dma2 semaphore(%run_scoped3A_39 : memref<!tpu.dma_semaphore, #tpu.memory_space<semaphore_mem>>) src(%dma_wait3A_47 : memref<64xi32, #tpu.memory_space<hbm>>) dst(%arg5 : memref<64xi32, #tpu.memory_space<vmem>>)
      tpu.yield
    }) : () -> ()
    %dma_start3A = arith.constant 0 : i32
    %dma_start3A_33 = arith.constant 0 : i32
    %dma_start3A_34 = tpu.memref_slice %arg2[%dma_start3A, %dma_start3A_33] : memref<4800x768xf32, #tpu.memory_space<hbm>> -> memref<4800x768xf32, #tpu.memory_space<hbm>>
    tpu.enqueue_indirect_dma source(%dma_start3A_34 : memref<4800x768xf32, #tpu.memory_space<hbm>>) target(%arg6 : memref<64x768xf32, #tpu.memory_space<vmem>>) offsets(%arg5 : memref<64xi32, #tpu.memory_space<vmem>>) semaphore(%arg7 : memref<!tpu.dma_semaphore, #tpu.memory_space<semaphore_mem>>)
    %dma_wait3A = arith.constant 0 : i32
    %dma_wait3A_35 = arith.constant 0 : i32
    %dma_wait3A_36 = tpu.memref_slice %arg2[%dma_wait3A, %dma_wait3A_35] : memref<4800x768xf32, #tpu.memory_space<hbm>> -> memref<4800x768xf32, #tpu.memory_space<hbm>>
    tpu.wait_indirect_dma semaphore(%arg7 : memref<!tpu.dma_semaphore, #tpu.memory_space<semaphore_mem>>) src(%dma_wait3A_36 : memref<4800x768xf32, #tpu.memory_space<hbm>>) dst(%arg6 : memref<64x768xf32, #tpu.memory_space<vmem>>)
    %mul3A_37 = arith.constant 64 : i32
    %mul3A_38 = arith.muli %add3A, %mul3A_37 : i32
    %run_scoped3A = arith.constant 0 : i32
    "tpu.region"() ({
      %run_scoped3A_39 = tpu.sem_alloc : memref<!tpu.dma_semaphore, #tpu.memory_space<semaphore_mem>>
      %dma_start3A_40 = arith.constant 0 : i32
      %dma_start3A_41 = tpu.memref_slice %arg4[%run_scoped3A, %mul3A_38, %dma_start3A_40] : memref<1x2048x768xf32, #tpu.memory_space<hbm>> -> memref<1x64x768xf32, #tpu.memory_space<hbm>>
      %dma_start3A_42 = tpu.memref_squeeze %dma_start3A_41 : memref<1x64x768xf32, #tpu.memory_space<hbm>> -> memref<64x768xf32, #tpu.memory_space<hbm>>
      %dma_start3A_43 = arith.constant 0 : i32
      %dma_start3A_44 = tpu.memref_slice %arg4[%run_scoped3A, %mul3A_38, %dma_start3A_43] : memref<1x2048x768xf32, #tpu.memory_space<hbm>> -> memref<1x64x768xf32, #tpu.memory_space<hbm>>
      %dma_start3A_45 = tpu.memref_squeeze %dma_start3A_44 : memref<1x64x768xf32, #tpu.memory_space<hbm>> -> memref<64x768xf32, #tpu.memory_space<hbm>>
      tpu.enqueue_dma source(%arg6 : memref<64x768xf32, #tpu.memory_space<vmem>>) target(%dma_start3A_45 : memref<64x768xf32, #tpu.memory_space<hbm>>) target_semaphore(%run_scoped3A_39 : memref<!tpu.dma_semaphore, #tpu.memory_space<semaphore_mem>>)
      %dma_wait3A_46 = arith.constant 0 : i32
      %dma_wait3A_47 = tpu.memref_slice %arg4[%run_scoped3A, %mul3A_38, %dma_wait3A_46] : memref<1x2048x768xf32, #tpu.memory_space<hbm>> -> memref<1x64x768xf32, #tpu.memory_space<hbm>>
      %dma_wait3A_48 = tpu.memref_squeeze %dma_wait3A_47 : memref<1x64x768xf32, #tpu.memory_space<hbm>> -> memref<64x768xf32, #tpu.memory_space<hbm>>
      %dma_wait3A_49 = arith.constant 0 : i32
      %dma_wait3A_50 = tpu.memref_slice %arg4[%run_scoped3A, %mul3A_38, %dma_wait3A_49] : memref<1x2048x768xf32, #tpu.memory_space<hbm>> -> memref<1x64x768xf32, #tpu.memory_space<hbm>>
      %dma_wait3A_51 = tpu.memref_squeeze %dma_wait3A_50 : memref<1x64x768xf32, #tpu.memory_space<hbm>> -> memref<64x768xf32, #tpu.memory_space<hbm>>
      tpu.wait_dma2 semaphore(%run_scoped3A_39 : memref<!tpu.dma_semaphore, #tpu.memory_space<semaphore_mem>>) src(%arg6 : memref<64x768xf32, #tpu.memory_space<vmem>>) dst(%dma_wait3A_51 : memref<64x768xf32, #tpu.memory_space<hbm>>)
      tpu.yield
    }) : () -> ()
    return
  }
}

module attributes {stable_mosaic.version = 14 : i64} {
  func.func @_mlp_body(%arg0: i32, %arg1: memref<25x1xi32, #tpu.memory_space<smem>>, %arg2: memref<1x1xi32, #tpu.memory_space<smem>>, %arg3: memref<192x768xf32, #tpu.memory_space<vmem>>, %arg4: memref<1x768x768xf32, #tpu.memory_space<vmem>>, %arg5: memref<16x768xf32, #tpu.memory_space<vmem>>, %arg6: memref<1x768x768xf32, #tpu.memory_space<vmem>>, %arg7: memref<16x768xf32, #tpu.memory_space<vmem>>, %arg8: memref<192x768xf32, #tpu.memory_space<vmem>>) attributes {dimension_semantics = [#tpu.dimension_semantics<arbitrary>], iteration_bounds = array<i64: 25>, scalar_prefetch = 2 : i64, scratch_operands = 0 : i64, tpu.core_type = #tpu.core_type<tc>, window_params = [{transform_indices = @transform_0, window_bounds = array<i64: 192, 768>}, {transform_indices = @transform_1, window_bounds = array<i64: 1, 768, 768>}, {pipeline_mode = #tpu.pipeline_mode<synchronous>, transform_indices = @transform_2, window_bounds = array<i64: 16, 768>}, {transform_indices = @transform_3, window_bounds = array<i64: 1, 768, 768>}, {pipeline_mode = #tpu.pipeline_mode<synchronous>, transform_indices = @transform_4, window_bounds = array<i64: 16, 768>}, {transform_indices = @transform_5, window_bounds = array<i64: 192, 768>}]} {
    %get3A = arith.constant 0 : index
    %get3A_0 = arith.constant 0 : index
    %get3A_1 = memref.load %arg2[%get3A, %get3A_0] : memref<1x1xi32, #tpu.memory_space<smem>>
    %lt3A = arith.cmpi slt, %arg0, %get3A_1 : i32
    %convert_element_type3A = arith.extui %lt3A : i1 to i32
    %cond3A = arith.constant 0 : i32
    %cond3A_2 = arith.cmpi ne, %convert_element_type3A, %cond3A : i32
    scf.if %cond3A_2 {
      %get3A_3 = arith.index_cast %arg0 : i32 to index
      %get3A_4 = arith.constant 0 : index
      %get3A_5 = memref.load %arg1[%get3A_3, %get3A_4] : memref<25x1xi32, #tpu.memory_space<smem>>
      %get3A_6 = arith.constant 0 : index
      %get3A_7 = arith.constant 0 : index
      %get3A_8 = vector.load %arg3[%get3A_6, %get3A_7] : memref<192x768xf32, #tpu.memory_space<vmem>>, vector<192x768xf32>
      %get3A_9 = arith.constant 0 : index
      %get3A_10 = arith.constant 0 : index
      %get3A_11 = arith.constant 0 : index
      %get3A_12 = vector.load %arg4[%get3A_9, %get3A_10, %get3A_11] : memref<1x768x768xf32, #tpu.memory_space<vmem>>, vector<1x768x768xf32>
      %get3A_13 = vector.shape_cast %get3A_12 : vector<1x768x768xf32> to vector<768x768xf32>
      %dot_general3A = arith.constant dense<0.000000e+00> : vector<192x768xf32>
      %dot_general3A_14 = tpu.matmul %get3A_8, %get3A_13, %dot_general3A {dimension_numbers = #tpu.dot_dimension_numbers<[1], [1], [0], [0], [0, 0, 1, 0], [], []>, transpose_lhs_hint = false} : vector<192x768xf32>, vector<768x768xf32>, vector<192x768xf32> -> vector<192x768xf32>
      %get3A_15 = arith.index_cast %get3A_5 : i32 to index
      %get3A_16 = arith.constant 0 : index
      %get3A_17 = vector.load %arg5[%get3A_15, %get3A_16] : memref<16x768xf32, #tpu.memory_space<vmem>>, vector<1x768xf32>
      %add3A = vector.broadcast %get3A_17 : vector<1x768xf32> to vector<192x768xf32>
      %add3A_18 = arith.addf %dot_general3A_14, %add3A : vector<192x768xf32>
      %mul3A = arith.constant 5.000000e-01 : f32
      %mul3A_19 = vector.broadcast %mul3A : f32 to vector<192x768xf32>
      %mul3A_20 = arith.mulf %mul3A_19, %add3A_18 : vector<192x768xf32>
      %mul3A_21 = arith.constant 0.707106769 : f32
      %mul3A_22 = vector.broadcast %mul3A_21 : f32 to vector<192x768xf32>
      %mul3A_23 = arith.mulf %add3A_18, %mul3A_22 : vector<192x768xf32>
      %erf3A = math.erf %mul3A_23 : vector<192x768xf32>
      %add3A_24 = arith.constant 1.000000e+00 : f32
      %add3A_25 = vector.broadcast %add3A_24 : f32 to vector<192x768xf32>
      %add3A_26 = arith.addf %add3A_25, %erf3A : vector<192x768xf32>
      %mul3A_27 = arith.mulf %mul3A_20, %add3A_26 : vector<192x768xf32>
      %get3A_28 = arith.constant 0 : index
      %get3A_29 = arith.constant 0 : index
      %get3A_30 = arith.constant 0 : index
      %get3A_31 = vector.load %arg6[%get3A_28, %get3A_29, %get3A_30] : memref<1x768x768xf32, #tpu.memory_space<vmem>>, vector<1x768x768xf32>
      %get3A_32 = vector.shape_cast %get3A_31 : vector<1x768x768xf32> to vector<768x768xf32>
      %dot_general3A_33 = arith.constant dense<0.000000e+00> : vector<192x768xf32>
      %dot_general3A_34 = tpu.matmul %mul3A_27, %get3A_32, %dot_general3A_33 {dimension_numbers = #tpu.dot_dimension_numbers<[1], [1], [0], [0], [0, 0, 1, 0], [], []>, transpose_lhs_hint = false} : vector<192x768xf32>, vector<768x768xf32>, vector<192x768xf32> -> vector<192x768xf32>
      %get3A_35 = arith.index_cast %get3A_5 : i32 to index
      %get3A_36 = arith.constant 0 : index
      %get3A_37 = vector.load %arg7[%get3A_35, %get3A_36] : memref<16x768xf32, #tpu.memory_space<vmem>>, vector<1x768xf32>
      %add3A_38 = vector.broadcast %get3A_37 : vector<1x768xf32> to vector<192x768xf32>
      %add3A_39 = arith.addf %dot_general3A_34, %add3A_38 : vector<192x768xf32>
      %swap3A = arith.constant 0 : index
      %swap3A_40 = arith.constant 0 : index
      %swap3A_41 = vector.load %arg8[%swap3A, %swap3A_40] : memref<192x768xf32, #tpu.memory_space<vmem>>, vector<192x768xf32>
      tpu.vector_store %arg8[%swap3A, %swap3A_40], %add3A_39 {strides = array<i32>} : memref<192x768xf32, #tpu.memory_space<vmem>>, vector<192x768xf32>,
    } else {
    }
    return
  }
  func.func @transform_0(%arg0: i32, %arg1: memref<25x1xi32, #tpu.memory_space<smem>>, %arg2: memref<1x1xi32, #tpu.memory_space<smem>>) -> (i32, i32) {
    %get3A = arith.constant 0 : index
    %get3A_0 = arith.constant 0 : index
    %get3A_1 = memref.load %arg2[%get3A, %get3A_0] : memref<1x1xi32, #tpu.memory_space<smem>>
    %lt3A = arith.cmpi slt, %arg0, %get3A_1 : i32
    %jit3A = arith.constant 0 : i32
    %select_n3A = arith.select %lt3A, %arg0, %jit3A : i32
    %c0_i32 = arith.constant 0 : i32
    %c0_i32_2 = arith.constant 0 : i32
    return %select_n3A, %c0_i32 : i32, i32
  }
  func.func @transform_1(%arg0: i32, %arg1: memref<25x1xi32, #tpu.memory_space<smem>>, %arg2: memref<1x1xi32, #tpu.memory_space<smem>>) -> (i32, i32, i32) {
    %get3A = arith.index_cast %arg0 : i32 to index
    %get3A_0 = arith.constant 0 : index
    %get3A_1 = memref.load %arg1[%get3A, %get3A_0] : memref<25x1xi32, #tpu.memory_space<smem>>
    %c0_i32 = arith.constant 0 : i32
    %c0_i32_2 = arith.constant 0 : i32
    %c0_i32_3 = arith.constant 0 : i32
    return %get3A_1, %c0_i32, %c0_i32_2 : i32, i32, i32
  }
  func.func @transform_2(%arg0: i32, %arg1: memref<25x1xi32, #tpu.memory_space<smem>>, %arg2: memref<1x1xi32, #tpu.memory_space<smem>>) -> (i32, i32) {
    %c0_i32 = arith.constant 0 : i32
    %c0_i32_0 = arith.constant 0 : i32
    %c0_i32_1 = arith.constant 0 : i32
    return %c0_i32, %c0_i32_0 : i32, i32
  }
  func.func @transform_3(%arg0: i32, %arg1: memref<25x1xi32, #tpu.memory_space<smem>>, %arg2: memref<1x1xi32, #tpu.memory_space<smem>>) -> (i32, i32, i32) {
    %get3A = arith.index_cast %arg0 : i32 to index
    %get3A_0 = arith.constant 0 : index
    %get3A_1 = memref.load %arg1[%get3A, %get3A_0] : memref<25x1xi32, #tpu.memory_space<smem>>
    %c0_i32 = arith.constant 0 : i32
    %c0_i32_2 = arith.constant 0 : i32
    %c0_i32_3 = arith.constant 0 : i32
    return %get3A_1, %c0_i32, %c0_i32_2 : i32, i32, i32
  }
  func.func @transform_4(%arg0: i32, %arg1: memref<25x1xi32, #tpu.memory_space<smem>>, %arg2: memref<1x1xi32, #tpu.memory_space<smem>>) -> (i32, i32) {
    %c0_i32 = arith.constant 0 : i32
    %c0_i32_0 = arith.constant 0 : i32
    %c0_i32_1 = arith.constant 0 : i32
    return %c0_i32, %c0_i32_0 : i32, i32
  }
  func.func @transform_5(%arg0: i32, %arg1: memref<25x1xi32, #tpu.memory_space<smem>>, %arg2: memref<1x1xi32, #tpu.memory_space<smem>>) -> (i32, i32) {
    %get3A = arith.constant 0 : index
    %get3A_0 = arith.constant 0 : index
    %get3A_1 = memref.load %arg2[%get3A, %get3A_0] : memref<1x1xi32, #tpu.memory_space<smem>>
    %min3A = arith.minsi %arg0, %get3A_1 : i32
    %c0_i32 = arith.constant 0 : i32
    %c0_i32_2 = arith.constant 0 : i32
    return %min3A, %c0_i32 : i32, i32
  }
}

module attributes {stable_mosaic.version = 14 : i64} {
  func.func @_gate_body(%arg0: memref<16x128x768xf32, #tpu.memory_space<vmem>>, %arg1: memref<16x768xf32, #tpu.memory_space<vmem>>, %arg2: memref<16x128xi32, #tpu.memory_space<vmem>>, %arg3: memref<25x1xi32, #tpu.memory_space<vmem>>, %arg4: memref<1x1xi32, #tpu.memory_space<vmem>>) attributes {dimension_semantics = [], scalar_prefetch = 0 : i64, scratch_operands = 0 : i64, tpu.core_type = #tpu.core_type<tc>} {
    %get3A = arith.constant 0 : index
    %get3A_0 = arith.constant 0 : index
    %get3A_1 = arith.constant 0 : index
    %get3A_2 = vector.load %arg0[%get3A, %get3A_0, %get3A_1] : memref<16x128x768xf32, #tpu.memory_space<vmem>>, vector<16x128x768xf32>
    %get3A_3 = arith.constant 0 : index
    %get3A_4 = arith.constant 0 : index
    %get3A_5 = vector.load %arg1[%get3A_3, %get3A_4] : memref<16x768xf32, #tpu.memory_space<vmem>>, vector<16x768xf32>
    %dot_general3A = arith.constant dense<0.000000e+00> : vector<16x128x16xf32>
    %dot_general3A_6 = tpu.matmul %get3A_2, %get3A_5, %dot_general3A {dimension_numbers = #tpu.dot_dimension_numbers<[2], [1], [0, 1], [0], [0, 0, 0, 1, 1, 0], [], []>, transpose_lhs_hint = false} : vector<16x128x768xf32>, vector<16x768xf32>, vector<16x128x16xf32> -> vector<16x128x16xf32>
    %reduce_max3A = arith.constant dense<0xFF800000> : vector<16x128xf32>
    %reduce_max3A_7 = vector.multi_reduction <maximumf>, %dot_general3A_6, %reduce_max3A [2] : vector<16x128x16xf32> to vector<16x128xf32>
    %broadcast_in_dim3A = vector.shape_cast %reduce_max3A_7 : vector<16x128xf32> to vector<16x128x1xf32>
    %iota3A = tpu.iota {dimensions = array<i32: 2>} : vector<16x128x16xi32>
    %ge3A = vector.broadcast %broadcast_in_dim3A : vector<16x128x1xf32> to vector<16x128x16xf32>
    %ge3A_8 = arith.cmpf oge, %dot_general3A_6, %ge3A : vector<16x128x16xf32>
    %jit3A = arith.constant 16 : i32
    %broadcast_in_dim3A_9 = vector.broadcast %jit3A : i32 to vector<16x128x16xi32>
    %select_n3A = arith.select %ge3A_8, %iota3A, %broadcast_in_dim3A_9 : vector<16x128x16xi1>, vector<16x128x16xi32>
    %reduce_min3A = arith.constant dense<2147483647> : vector<16x128xi32>
    %reduce_min3A_10 = vector.multi_reduction <minsi>, %select_n3A, %reduce_min3A [2] : vector<16x128x16xi32> to vector<16x128xi32>
    %broadcast_in_dim3A_11 = vector.shape_cast %reduce_min3A_10 : vector<16x128xi32> to vector<16x128x1xi32>
    %eq3A = vector.broadcast %broadcast_in_dim3A_11 : vector<16x128x1xi32> to vector<16x128x16xi32>
    %eq3A_12 = arith.cmpi eq, %iota3A, %eq3A : vector<16x128x16xi32>
    %convert_element_type3A = arith.extui %eq3A_12 : vector<16x128x16xi1> to vector<16x128x16xi32>
    %convert_element_type3A_13 = arith.sitofp %convert_element_type3A : vector<16x128x16xi32> to vector<16x128x16xf32>
    %reduce_sum3A = arith.constant dense<0.000000e+00> : vector<128x16xf32>
    %reduce_sum3A_14 = vector.multi_reduction <add>, %convert_element_type3A_13, %reduce_sum3A [0] : vector<16x128x16xf32> to vector<128x16xf32>
    %iota3A_15 = tpu.iota {dimensions = array<i32: 0>} : vector<128x128xi32>
    %iota3A_16 = tpu.iota {dimensions = array<i32: 1>} : vector<128x128xi32>
    %gt3A = arith.cmpi sgt, %iota3A_15, %iota3A_16 : vector<128x128xi32>
    %convert_element_type3A_17 = arith.extui %gt3A : vector<128x128xi1> to vector<128x128xi32>
    %convert_element_type3A_18 = arith.sitofp %convert_element_type3A_17 : vector<128x128xi32> to vector<128x128xf32>
    %convert_element_type3A_19 = arith.truncf %convert_element_type3A_18 : vector<128x128xf32> to vector<128x128xbf16>
    %convert_element_type3A_20 = arith.truncf %reduce_sum3A_14 : vector<128x16xf32> to vector<128x16xbf16>
    %dot_general3A_21 = arith.constant dense<0.000000e+00> : vector<128x16xf32>
    %dot_general3A_22 = tpu.matmul %convert_element_type3A_19, %convert_element_type3A_20, %dot_general3A_21 {dimension_numbers = #tpu.dot_dimension_numbers<[1], [0], [0], [1], [0, 0, 1, 1], [], []>, transpose_lhs_hint = false} : vector<128x128xbf16>, vector<128x16xbf16>, vector<128x16xf32> -> vector<128x16xf32>
    %reduce_sum3A_23 = arith.constant dense<0.000000e+00> : vector<16xf32>
    %reduce_sum3A_24 = vector.multi_reduction <add>, %reduce_sum3A_14, %reduce_sum3A_23 [0] : vector<128x16xf32> to vector<16xf32>
    %broadcast_in_dim3A_25 = vector.shape_cast %reduce_sum3A_24 : vector<16xf32> to vector<1x16xf32>
    %convert_element_type3A_26 = arith.fptosi %broadcast_in_dim3A_25 : vector<1x16xf32> to vector<1x16xi32>
    %add3A = arith.constant 191 : i32
    %add3A_27 = vector.broadcast %add3A : i32 to vector<1x16xi32>
    %add3A_28 = arith.addi %convert_element_type3A_26, %add3A_27 : vector<1x16xi32>
    %jit3A_29 = arith.constant 192 : i32
    %div3A = vector.broadcast %jit3A_29 : i32 to vector<1x16xi32>
    %div3A_30 = arith.divsi %add3A_28, %div3A : vector<1x16xi32>
    %sign3A = arith.constant 0 : i32
    %sign3A_31 = vector.broadcast %sign3A : i32 to vector<1x16xi32>
    %sign3A_32 = arith.cmpi sgt, %add3A_28, %sign3A_31 : vector<1x16xi32>
    %sign3A_33 = arith.extui %sign3A_32 : vector<1x16xi1> to vector<1x16xi32>
    %sign3A_34 = arith.constant 0 : i32
    %sign3A_35 = vector.broadcast %sign3A_34 : i32 to vector<1x16xi32>
    %sign3A_36 = arith.cmpi slt, %add3A_28, %sign3A_35 : vector<1x16xi32>
    %sign3A_37 = arith.extui %sign3A_36 : vector<1x16xi1> to vector<1x16xi32>
    %sign3A_38 = arith.subi %sign3A_33, %sign3A_37 : vector<1x16xi32>
    %sign3A_39 = arith.constant 0 : i32
    %sign3A_40 = arith.cmpi sgt, %jit3A_29, %sign3A_39 : i32
    %sign3A_41 = arith.extui %sign3A_40 : i1 to i32
    %sign3A_42 = arith.constant 0 : i32
    %sign3A_43 = arith.cmpi slt, %jit3A_29, %sign3A_42 : i32
    %sign3A_44 = arith.extui %sign3A_43 : i1 to i32
    %sign3A_45 = arith.subi %sign3A_41, %sign3A_44 : i32
    %ne3A = vector.broadcast %sign3A_45 : i32 to vector<1x16xi32>
    %ne3A_46 = arith.cmpi ne, %sign3A_38, %ne3A : vector<1x16xi32>
    %rem3A = vector.broadcast %jit3A_29 : i32 to vector<1x16xi32>
    %rem3A_47 = arith.remsi %add3A_28, %rem3A : vector<1x16xi32>
    %ne3A_48 = arith.constant 0 : i32
    %ne3A_49 = vector.broadcast %ne3A_48 : i32 to vector<1x16xi32>
    %ne3A_50 = arith.cmpi ne, %rem3A_47, %ne3A_49 : vector<1x16xi32>
    %and3A = arith.andi %ne3A_46, %ne3A_50 : vector<1x16xi1>
    %sub3A = arith.constant 1 : i32
    %sub3A_51 = vector.broadcast %sub3A : i32 to vector<1x16xi32>
    %sub3A_52 = arith.subi %div3A_30, %sub3A_51 : vector<1x16xi32>
    %select_n3A_53 = arith.select %and3A, %sub3A_52, %div3A_30 : vector<1x16xi1>, vector<1x16xi32>
    %iota3A_54 = tpu.iota {dimensions = array<i32: 0>} : vector<16x16xi32>
    %iota3A_55 = tpu.iota {dimensions = array<i32: 1>} : vector<16x16xi32>
    %lt3A = arith.cmpi slt, %iota3A_54, %iota3A_55 : vector<16x16xi32>
    %convert_element_type3A_56 = arith.extui %lt3A : vector<16x16xi1> to vector<16x16xi32>
    %convert_element_type3A_57 = arith.sitofp %convert_element_type3A_56 : vector<16x16xi32> to vector<16x16xf32>
    %convert_element_type3A_58 = arith.truncf %convert_element_type3A_57 : vector<16x16xf32> to vector<16x16xbf16>
    %convert_element_type3A_59 = arith.sitofp %select_n3A_53 : vector<1x16xi32> to vector<1x16xbf16>
    %dot_general3A_60 = arith.constant dense<0.000000e+00> : vector<1x16xf32>
    %dot_general3A_61 = tpu.matmul %convert_element_type3A_59, %convert_element_type3A_58, %dot_general3A_60 {dimension_numbers = #tpu.dot_dimension_numbers<[1], [0], [0], [1], [0, 0, 1, 1], [], []>, transpose_lhs_hint = false} : vector<1x16xbf16>, vector<16x16xbf16>, vector<1x16xf32> -> vector<1x16xf32>
    %mul3A = arith.constant 1.920000e+02 : f32
    %mul3A_62 = vector.broadcast %mul3A : f32 to vector<1x16xf32>
    %mul3A_63 = arith.mulf %dot_general3A_61, %mul3A_62 : vector<1x16xf32>
    %broadcast_in_dim3A_64 = arith.constant 0.000000e+00 : f32
    %broadcast_in_dim3A_65 = vector.broadcast %broadcast_in_dim3A_64 : f32 to vector<1x128x16xf32>
    %broadcast_in_dim3A_66 = vector.shape_cast %dot_general3A_22 : vector<128x16xf32> to vector<1x128x16xf32>
    %broadcast_in_dim3A_67 = vector.shape_cast %mul3A_63 : vector<1x16xf32> to vector<1x1x16xf32>
    %add3A_68 = vector.broadcast %broadcast_in_dim3A_67 : vector<1x1x16xf32> to vector<1x128x16xf32>
    %add3A_69 = arith.addf %broadcast_in_dim3A_66, %add3A_68 : vector<1x128x16xf32>
    %slice3A = vector.extract_strided_slice %convert_element_type3A_13 {offsets = [0, 0, 0], sizes = [1, 128, 16], strides = [1, 1, 1]} : vector<16x128x16xf32> to vector<1x128x16xf32>
    %add3A_70 = arith.addf %broadcast_in_dim3A_65, %add3A_69 : vector<1x128x16xf32>
    %mul3A_71 = arith.mulf %slice3A, %add3A_70 : vector<1x128x16xf32>
    %reduce_sum3A_72 = arith.constant dense<0.000000e+00> : vector<1x128xf32>
    %reduce_sum3A_73 = vector.multi_reduction <add>, %mul3A_71, %reduce_sum3A_72 [2] : vector<1x128x16xf32> to vector<1x128xf32>
    %slice3A_74 = vector.extract_strided_slice %convert_element_type3A_13 {offsets = [0, 0, 0], sizes = [1, 128, 16], strides = [1, 1, 1]} : vector<16x128x16xf32> to vector<1x128x16xf32>
    %add3A_75 = arith.addf %broadcast_in_dim3A_65, %slice3A_74 : vector<1x128x16xf32>
    %slice3A_76 = vector.extract_strided_slice %convert_element_type3A_13 {offsets = [1, 0, 0], sizes = [1, 128, 16], strides = [1, 1, 1]} : vector<16x128x16xf32> to vector<1x128x16xf32>
    %add3A_77 = arith.addf %add3A_75, %add3A_69 : vector<1x128x16xf32>
    %mul3A_78 = arith.mulf %slice3A_76, %add3A_77 : vector<1x128x16xf32>
    %reduce_sum3A_79 = arith.constant dense<0.000000e+00> : vector<1x128xf32>
    %reduce_sum3A_80 = vector.multi_reduction <add>, %mul3A_78, %reduce_sum3A_79 [2] : vector<1x128x16xf32> to vector<1x128xf32>
    %slice3A_81 = vector.extract_strided_slice %convert_element_type3A_13 {offsets = [1, 0, 0], sizes = [1, 128, 16], strides = [1, 1, 1]} : vector<16x128x16xf32> to vector<1x128x16xf32>
    %add3A_82 = arith.addf %add3A_75, %slice3A_81 : vector<1x128x16xf32>
    %slice3A_83 = vector.extract_strided_slice %convert_element_type3A_13 {offsets = [2, 0, 0], sizes = [1, 128, 16], strides = [1, 1, 1]} : vector<16x128x16xf32> to vector<1x128x16xf32>
    %add3A_84 = arith.addf %add3A_82, %add3A_69 : vector<1x128x16xf32>
    %mul3A_85 = arith.mulf %slice3A_83, %add3A_84 : vector<1x128x16xf32>
    %reduce_sum3A_86 = arith.constant dense<0.000000e+00> : vector<1x128xf32>
    %reduce_sum3A_87 = vector.multi_reduction <add>, %mul3A_85, %reduce_sum3A_86 [2] : vector<1x128x16xf32> to vector<1x128xf32>
    %slice3A_88 = vector.extract_strided_slice %convert_element_type3A_13 {offsets = [2, 0, 0], sizes = [1, 128, 16], strides = [1, 1, 1]} : vector<16x128x16xf32> to vector<1x128x16xf32>
    %add3A_89 = arith.addf %add3A_82, %slice3A_88 : vector<1x128x16xf32>
    %slice3A_90 = vector.extract_strided_slice %convert_element_type3A_13 {offsets = [3, 0, 0], sizes = [1, 128, 16], strides = [1, 1, 1]} : vector<16x128x16xf32> to vector<1x128x16xf32>
    %add3A_91 = arith.addf %add3A_89, %add3A_69 : vector<1x128x16xf32>
    %mul3A_92 = arith.mulf %slice3A_90, %add3A_91 : vector<1x128x16xf32>
    %reduce_sum3A_93 = arith.constant dense<0.000000e+00> : vector<1x128xf32>
    %reduce_sum3A_94 = vector.multi_reduction <add>, %mul3A_92, %reduce_sum3A_93 [2] : vector<1x128x16xf32> to vector<1x128xf32>
    %slice3A_95 = vector.extract_strided_slice %convert_element_type3A_13 {offsets = [3, 0, 0], sizes = [1, 128, 16], strides = [1, 1, 1]} : vector<16x128x16xf32> to vector<1x128x16xf32>
    %add3A_96 = arith.addf %add3A_89, %slice3A_95 : vector<1x128x16xf32>
    %slice3A_97 = vector.extract_strided_slice %convert_element_type3A_13 {offsets = [4, 0, 0], sizes = [1, 128, 16], strides = [1, 1, 1]} : vector<16x128x16xf32> to vector<1x128x16xf32>
    %add3A_98 = arith.addf %add3A_96, %add3A_69 : vector<1x128x16xf32>
    %mul3A_99 = arith.mulf %slice3A_97, %add3A_98 : vector<1x128x16xf32>
    %reduce_sum3A_100 = arith.constant dense<0.000000e+00> : vector<1x128xf32>
    %reduce_sum3A_101 = vector.multi_reduction <add>, %mul3A_99, %reduce_sum3A_100 [2] : vector<1x128x16xf32> to vector<1x128xf32>
    %slice3A_102 = vector.extract_strided_slice %convert_element_type3A_13 {offsets = [4, 0, 0], sizes = [1, 128, 16], strides = [1, 1, 1]} : vector<16x128x16xf32> to vector<1x128x16xf32>
    %add3A_103 = arith.addf %add3A_96, %slice3A_102 : vector<1x128x16xf32>
    %slice3A_104 = vector.extract_strided_slice %convert_element_type3A_13 {offsets = [5, 0, 0], sizes = [1, 128, 16], strides = [1, 1, 1]} : vector<16x128x16xf32> to vector<1x128x16xf32>
    %add3A_105 = arith.addf %add3A_103, %add3A_69 : vector<1x128x16xf32>
    %mul3A_106 = arith.mulf %slice3A_104, %add3A_105 : vector<1x128x16xf32>
    %reduce_sum3A_107 = arith.constant dense<0.000000e+00> : vector<1x128xf32>
    %reduce_sum3A_108 = vector.multi_reduction <add>, %mul3A_106, %reduce_sum3A_107 [2] : vector<1x128x16xf32> to vector<1x128xf32>
    %slice3A_109 = vector.extract_strided_slice %convert_element_type3A_13 {offsets = [5, 0, 0], sizes = [1, 128, 16], strides = [1, 1, 1]} : vector<16x128x16xf32> to vector<1x128x16xf32>
    %add3A_110 = arith.addf %add3A_103, %slice3A_109 : vector<1x128x16xf32>
    %slice3A_111 = vector.extract_strided_slice %convert_element_type3A_13 {offsets = [6, 0, 0], sizes = [1, 128, 16], strides = [1, 1, 1]} : vector<16x128x16xf32> to vector<1x128x16xf32>
    %add3A_112 = arith.addf %add3A_110, %add3A_69 : vector<1x128x16xf32>
    %mul3A_113 = arith.mulf %slice3A_111, %add3A_112 : vector<1x128x16xf32>
    %reduce_sum3A_114 = arith.constant dense<0.000000e+00> : vector<1x128xf32>
    %reduce_sum3A_115 = vector.multi_reduction <add>, %mul3A_113, %reduce_sum3A_114 [2] : vector<1x128x16xf32> to vector<1x128xf32>
    %slice3A_116 = vector.extract_strided_slice %convert_element_type3A_13 {offsets = [6, 0, 0], sizes = [1, 128, 16], strides = [1, 1, 1]} : vector<16x128x16xf32> to vector<1x128x16xf32>
    %add3A_117 = arith.addf %add3A_110, %slice3A_116 : vector<1x128x16xf32>
    %slice3A_118 = vector.extract_strided_slice %convert_element_type3A_13 {offsets = [7, 0, 0], sizes = [1, 128, 16], strides = [1, 1, 1]} : vector<16x128x16xf32> to vector<1x128x16xf32>
    %add3A_119 = arith.addf %add3A_117, %add3A_69 : vector<1x128x16xf32>
    %mul3A_120 = arith.mulf %slice3A_118, %add3A_119 : vector<1x128x16xf32>
    %reduce_sum3A_121 = arith.constant dense<0.000000e+00> : vector<1x128xf32>
    %reduce_sum3A_122 = vector.multi_reduction <add>, %mul3A_120, %reduce_sum3A_121 [2] : vector<1x128x16xf32> to vector<1x128xf32>
    %slice3A_123 = vector.extract_strided_slice %convert_element_type3A_13 {offsets = [7, 0, 0], sizes = [1, 128, 16], strides = [1, 1, 1]} : vector<16x128x16xf32> to vector<1x128x16xf32>
    %add3A_124 = arith.addf %add3A_117, %slice3A_123 : vector<1x128x16xf32>
    %slice3A_125 = vector.extract_strided_slice %convert_element_type3A_13 {offsets = [8, 0, 0], sizes = [1, 128, 16], strides = [1, 1, 1]} : vector<16x128x16xf32> to vector<1x128x16xf32>
    %add3A_126 = arith.addf %add3A_124, %add3A_69 : vector<1x128x16xf32>
    %mul3A_127 = arith.mulf %slice3A_125, %add3A_126 : vector<1x128x16xf32>
    %reduce_sum3A_128 = arith.constant dense<0.000000e+00> : vector<1x128xf32>
    %reduce_sum3A_129 = vector.multi_reduction <add>, %mul3A_127, %reduce_sum3A_128 [2] : vector<1x128x16xf32> to vector<1x128xf32>
    %slice3A_130 = vector.extract_strided_slice %convert_element_type3A_13 {offsets = [8, 0, 0], sizes = [1, 128, 16], strides = [1, 1, 1]} : vector<16x128x16xf32> to vector<1x128x16xf32>
    %add3A_131 = arith.addf %add3A_124, %slice3A_130 : vector<1x128x16xf32>
    %slice3A_132 = vector.extract_strided_slice %convert_element_type3A_13 {offsets = [9, 0, 0], sizes = [1, 128, 16], strides = [1, 1, 1]} : vector<16x128x16xf32> to vector<1x128x16xf32>
    %add3A_133 = arith.addf %add3A_131, %add3A_69 : vector<1x128x16xf32>
    %mul3A_134 = arith.mulf %slice3A_132, %add3A_133 : vector<1x128x16xf32>
    %reduce_sum3A_135 = arith.constant dense<0.000000e+00> : vector<1x128xf32>
    %reduce_sum3A_136 = vector.multi_reduction <add>, %mul3A_134, %reduce_sum3A_135 [2] : vector<1x128x16xf32> to vector<1x128xf32>
    %slice3A_137 = vector.extract_strided_slice %convert_element_type3A_13 {offsets = [9, 0, 0], sizes = [1, 128, 16], strides = [1, 1, 1]} : vector<16x128x16xf32> to vector<1x128x16xf32>
    %add3A_138 = arith.addf %add3A_131, %slice3A_137 : vector<1x128x16xf32>
    %slice3A_139 = vector.extract_strided_slice %convert_element_type3A_13 {offsets = [10, 0, 0], sizes = [1, 128, 16], strides = [1, 1, 1]} : vector<16x128x16xf32> to vector<1x128x16xf32>
    %add3A_140 = arith.addf %add3A_138, %add3A_69 : vector<1x128x16xf32>
    %mul3A_141 = arith.mulf %slice3A_139, %add3A_140 : vector<1x128x16xf32>
    %reduce_sum3A_142 = arith.constant dense<0.000000e+00> : vector<1x128xf32>
    %reduce_sum3A_143 = vector.multi_reduction <add>, %mul3A_141, %reduce_sum3A_142 [2] : vector<1x128x16xf32> to vector<1x128xf32>
    %slice3A_144 = vector.extract_strided_slice %convert_element_type3A_13 {offsets = [10, 0, 0], sizes = [1, 128, 16], strides = [1, 1, 1]} : vector<16x128x16xf32> to vector<1x128x16xf32>
    %add3A_145 = arith.addf %add3A_138, %slice3A_144 : vector<1x128x16xf32>
    %slice3A_146 = vector.extract_strided_slice %convert_element_type3A_13 {offsets = [11, 0, 0], sizes = [1, 128, 16], strides = [1, 1, 1]} : vector<16x128x16xf32> to vector<1x128x16xf32>
    %add3A_147 = arith.addf %add3A_145, %add3A_69 : vector<1x128x16xf32>
    %mul3A_148 = arith.mulf %slice3A_146, %add3A_147 : vector<1x128x16xf32>
    %reduce_sum3A_149 = arith.constant dense<0.000000e+00> : vector<1x128xf32>
    %reduce_sum3A_150 = vector.multi_reduction <add>, %mul3A_148, %reduce_sum3A_149 [2] : vector<1x128x16xf32> to vector<1x128xf32>
    %slice3A_151 = vector.extract_strided_slice %convert_element_type3A_13 {offsets = [11, 0, 0], sizes = [1, 128, 16], strides = [1, 1, 1]} : vector<16x128x16xf32> to vector<1x128x16xf32>
    %add3A_152 = arith.addf %add3A_145, %slice3A_151 : vector<1x128x16xf32>
    %slice3A_153 = vector.extract_strided_slice %convert_element_type3A_13 {offsets = [12, 0, 0], sizes = [1, 128, 16], strides = [1, 1, 1]} : vector<16x128x16xf32> to vector<1x128x16xf32>
    %add3A_154 = arith.addf %add3A_152, %add3A_69 : vector<1x128x16xf32>
    %mul3A_155 = arith.mulf %slice3A_153, %add3A_154 : vector<1x128x16xf32>
    %reduce_sum3A_156 = arith.constant dense<0.000000e+00> : vector<1x128xf32>
    %reduce_sum3A_157 = vector.multi_reduction <add>, %mul3A_155, %reduce_sum3A_156 [2] : vector<1x128x16xf32> to vector<1x128xf32>
    %slice3A_158 = vector.extract_strided_slice %convert_element_type3A_13 {offsets = [12, 0, 0], sizes = [1, 128, 16], strides = [1, 1, 1]} : vector<16x128x16xf32> to vector<1x128x16xf32>
    %add3A_159 = arith.addf %add3A_152, %slice3A_158 : vector<1x128x16xf32>
    %slice3A_160 = vector.extract_strided_slice %convert_element_type3A_13 {offsets = [13, 0, 0], sizes = [1, 128, 16], strides = [1, 1, 1]} : vector<16x128x16xf32> to vector<1x128x16xf32>
    %add3A_161 = arith.addf %add3A_159, %add3A_69 : vector<1x128x16xf32>
    %mul3A_162 = arith.mulf %slice3A_160, %add3A_161 : vector<1x128x16xf32>
    %reduce_sum3A_163 = arith.constant dense<0.000000e+00> : vector<1x128xf32>
    %reduce_sum3A_164 = vector.multi_reduction <add>, %mul3A_162, %reduce_sum3A_163 [2] : vector<1x128x16xf32> to vector<1x128xf32>
    %slice3A_165 = vector.extract_strided_slice %convert_element_type3A_13 {offsets = [13, 0, 0], sizes = [1, 128, 16], strides = [1, 1, 1]} : vector<16x128x16xf32> to vector<1x128x16xf32>
    %add3A_166 = arith.addf %add3A_159, %slice3A_165 : vector<1x128x16xf32>
    %slice3A_167 = vector.extract_strided_slice %convert_element_type3A_13 {offsets = [14, 0, 0], sizes = [1, 128, 16], strides = [1, 1, 1]} : vector<16x128x16xf32> to vector<1x128x16xf32>
    %add3A_168 = arith.addf %add3A_166, %add3A_69 : vector<1x128x16xf32>
    %mul3A_169 = arith.mulf %slice3A_167, %add3A_168 : vector<1x128x16xf32>
    %reduce_sum3A_170 = arith.constant dense<0.000000e+00> : vector<1x128xf32>
    %reduce_sum3A_171 = vector.multi_reduction <add>, %mul3A_169, %reduce_sum3A_170 [2] : vector<1x128x16xf32> to vector<1x128xf32>
    %slice3A_172 = vector.extract_strided_slice %convert_element_type3A_13 {offsets = [14, 0, 0], sizes = [1, 128, 16], strides = [1, 1, 1]} : vector<16x128x16xf32> to vector<1x128x16xf32>
    %add3A_173 = arith.addf %add3A_166, %slice3A_172 : vector<1x128x16xf32>
    %slice3A_174 = vector.extract_strided_slice %convert_element_type3A_13 {offsets = [15, 0, 0], sizes = [1, 128, 16], strides = [1, 1, 1]} : vector<16x128x16xf32> to vector<1x128x16xf32>
    %add3A_175 = arith.addf %add3A_173, %add3A_69 : vector<1x128x16xf32>
    %mul3A_176 = arith.mulf %slice3A_174, %add3A_175 : vector<1x128x16xf32>
    %reduce_sum3A_177 = arith.constant dense<0.000000e+00> : vector<1x128xf32>
    %reduce_sum3A_178 = vector.multi_reduction <add>, %mul3A_176, %reduce_sum3A_177 [2] : vector<1x128x16xf32> to vector<1x128xf32>
    %concatenate3A = tpu.concatenate %reduce_sum3A_73, %reduce_sum3A_80, %reduce_sum3A_87, %reduce_sum3A_94, %reduce_sum3A_101, %reduce_sum3A_108, %reduce_sum3A_115, %reduce_sum3A_122, %reduce_sum3A_129, %reduce_sum3A_136, %reduce_sum3A_143, %reduce_sum3A_150, %reduce_sum3A_157, %reduce_sum3A_164, %reduce_sum3A_171, %reduce_sum3A_178 in 0 : vector<1x128xf32>, vector<1x128xf32>, vector<1x128xf32>, vector<1x128xf32>, vector<1x128xf32>, vector<1x128xf32>, vector<1x128xf32>, vector<1x128xf32>, vector<1x128xf32>, vector<1x128xf32>, vector<1x128xf32>, vector<1x128xf32>, vector<1x128xf32>, vector<1x128xf32>, vector<1x128xf32>, vector<1x128xf32> -> vector<16x128xf32>
    %convert_element_type3A_179 = arith.fptosi %concatenate3A : vector<16x128xf32> to vector<16x128xi32>
    %swap3A = arith.constant 0 : index
    %swap3A_180 = arith.constant 0 : index
    %swap3A_181 = vector.load %arg2[%swap3A, %swap3A_180] : memref<16x128xi32, #tpu.memory_space<vmem>>, vector<16x128xi32>
    tpu.vector_store %arg2[%swap3A, %swap3A_180], %convert_element_type3A_179 {strides = array<i32>} : memref<16x128xi32, #tpu.memory_space<vmem>>, vector<16x128xi32>,
    %convert_element_type3A_182 = arith.fptosi %dot_general3A_61 : vector<1x16xf32> to vector<1x16xi32>
    %iota3A_183 = tpu.iota {dimensions = array<i32: 0>} : vector<25x16xi32>
    %broadcast_in_dim3A_184 = vector.shape_cast %convert_element_type3A_182 : vector<1x16xi32> to vector<1x16xi32>
    %broadcast_in_dim3A_185 = vector.broadcast %broadcast_in_dim3A_184 : vector<1x16xi32> to vector<25x16xi32>
    %le3A = arith.cmpi sle, %broadcast_in_dim3A_185, %iota3A_183 : vector<25x16xi32>
    %convert_element_type3A_186 = arith.extui %le3A : vector<25x16xi1> to vector<25x16xi32>
    %reduce_sum3A_187 = arith.constant dense<0> : vector<25xi32>
    %reduce_sum3A_188 = vector.multi_reduction <add>, %convert_element_type3A_186, %reduce_sum3A_187 [1] : vector<25x16xi32> to vector<25xi32>
    %broadcast_in_dim3A_189 = vector.shape_cast %reduce_sum3A_188 : vector<25xi32> to vector<25x1xi32>
    %sub3A_190 = arith.constant 1 : i32
    %sub3A_191 = vector.broadcast %sub3A_190 : i32 to vector<25x1xi32>
    %sub3A_192 = arith.subi %broadcast_in_dim3A_189, %sub3A_191 : vector<25x1xi32>
    %swap3A_193 = arith.constant 0 : index
    %swap3A_194 = arith.constant 0 : index
    %swap3A_195 = vector.load %arg3[%swap3A_193, %swap3A_194] : memref<25x1xi32, #tpu.memory_space<vmem>>, vector<25x1xi32>
    tpu.vector_store %arg3[%swap3A_193, %swap3A_194], %sub3A_192 {strides = array<i32>} : memref<25x1xi32, #tpu.memory_space<vmem>>, vector<25x1xi32>,
    %reduce_sum3A_196 = arith.constant dense<0> : vector<1xi32>
    %reduce_sum3A_197 = vector.multi_reduction <add>, %select_n3A_53, %reduce_sum3A_196 [1] : vector<1x16xi32> to vector<1xi32>
    %broadcast_in_dim3A_198 = vector.shape_cast %reduce_sum3A_197 : vector<1xi32> to vector<1x1xi32>
    %swap3A_199 = arith.constant 0 : index
    %swap3A_200 = arith.constant 0 : index
    %swap3A_201 = vector.load %arg4[%swap3A_199, %swap3A_200] : memref<1x1xi32, #tpu.memory_space<vmem>>, vector<1x1xi32>
    tpu.vector_store %arg4[%swap3A_199, %swap3A_200], %broadcast_in_dim3A_198 {strides = array<i32>} : memref<1x1xi32, #tpu.memory_space<vmem>>, vector<1x1xi32>,
    return
  }
}

</mosaic_0001>

<sc_bundles>
// kernel: kernel.6.cloned.1.call-start
scs
__scs_entry_jumppad:
0x0: {  	(pc) =	sbr.rel $0x88, $3  }
0x1: {  	(tag) =	ssettag $0x0;
	lr =	simm.s32 $0x1  }
0x2: {  	[smem:$0x3F9B] =	sst lr;
	_ =	strace $0xD0000000  }
0x3: {  	_ = 	snop  }
0x4: {  	_ = 	snop  }
0x5: {  	_ = 	snop  }
0x6: {  	_ = 	snop  }
0x7: {  	_ = 	snop  }
__scs_overlays_trampoline_lowered:
0x8: {  	[smem:$0x3FAA] =	sst s0  }
0x9: {  	[smem:$0x3FAB] =	sst s1  }
0xa: {  	[smem:$0x3FAC] =	sst s2  }
0xb: {  	[smem:$0x3FAD] =	sst s3  }
0xc: {  	[smem:$0x3FAE] =	sst s4  }
0xd: {  	[smem:$0x3FAF] =	sst s5  }
0xe: {  	[smem:$0x3FB0] =	sst s6  }
0xf: {  	[smem:$0x3FB1] =	sst s7  }
0x10: {  	[smem:$0x3FB2] =	sst s8  }
0x11: {  	[smem:$0x3FB3] =	sst s9;
	s0 =	simm.s32 @!p0 $0x0  }
0x12: {  	s1 =	sld [smem:$0x3F99];
	s0 =	simm.s32 @p0 $0x1  }
0x13: {  	[smem:$0x3FB4] =	sst s0;
	s0 =	simm.s32 @!p1 $0x0  }
0x14: {  	s2 =	sld [smem:$0x3F98];
	s0 =	simm.s32 @p1 $0x1  }
0x15: {  	[smem:$0x3FB5] =	sst s0;
	s0 =	simm.s32 @!p2 $0x0  }
0x16: {  	s3 =	sld [smem:$0x3FDB];
	s0 =	simm.s32 @p2 $0x1  }
0x17: {  	s4 =	simm.s32 $0x1BF5;
	[smem:$0x3FB7] =	sst s0  }
0x18: {  	s0 =	sld [smem:$0x3F9A];
	_ =	swait.ge [sflag:s4], $0x0  }
0x19: {  	s7 =	sld [smem:$0x3F9B]  }
0x1a: {  	s8 =	sadd.s32 $0xFFFFE003, lr  }
0x1b: {  	s9 =	sadd.s32 $0xFFFFFEF7, lr;
	s5 =	simm.s32 $0xFFFFFFFF;
	p2 =	slt.u32 s8, $0xFFFFF086  }
0x1c: {  	p1 =	slt.u32 s9, $0xF7A;
	s5 =	simm.s32 @!p2 $0x0  }
0x1d: {  	s5 =	simm.s32 @p1 $0x1;
	p0 =	seq.s32 s7, s2  }
0x1e: {  	s7 =	smul.u32 @!p0 $0xF7A, s2;
	p2 =	seq.s32 @!p0 s5, $0x0  }
0x1f: {  	s9 =	smul.u32 $0xF7A, s1;
	s8 =	simm.s32 @!p0 $0x1BF5;
	p2 =	por !p2, p0  }
0x20: {  	[sflag:s8] =	ssyncset.s32 @!p0 $0xFFFFF086;
	s6 =	sadd.s32 @!p0 s3, s7;
	s7 =	simm.s32 @!p0 $0x108  }
0x21: {  	s3 =	sadd.s32 s3, s9;
	s6 =	sadd.s32 @!p0 $0x88, s6;
	s7 =	simm.s32 @p2 $0x1082  }
0x22: {  	[simem:s7], [sflag:s8] =	dma.local @!p0 [hbm:s6], $0xF7A  }
0x23: {  	s9 =	sor.u32 $0xD0000000, s2;
	s6 =	simm.s32 $0x108;
	_ =	swait.ge @!p0 [sflag:s8], $0x0  }
0x24: {  	s3 =	sadd.s32 $0x88, s3;
	s6 =	simm.s32 @!p1 $0x1082;
	[sflag:s4] =	ssyncset.s32 $0xFFFFF086  }
0x25: {  	[simem:s6], [sflag:s4] =	dma.local [hbm:s3], $0xF7A  }
0x26: {  	[smem:$0x3F9B] =	sst s1;
	(tag) =	ssettag s2;
	_ =	strace s9  }
0x27: {  	s1 =	sld [smem:$0x3FAB]  }
0x28: {  	s2 =	sld [smem:$0x3FAC]  }
0x29: {  	s4 =	sld [smem:$0x3FAE]  }
0x2a: {  	p0 =	seq.s32 s5, $0x0;
	s5 =	sld [smem:$0x3FAF]  }
0x2b: {  	s6 =	sld [smem:$0x3FB0]  }
0x2c: {  	s7 =	sld [smem:$0x3FB1]  }
0x2d: {  	s3 =	simm.s32 $0x108;
	s8 =	sld [smem:$0x3FB2]  }
0x2e: {  	s3 =	simm.s32 @!p0 $0x1082;
	s9 =	sld [smem:$0x3FB3]  }
0x2f: {  	lr =	sadd.s32 s0, s3;
	s0 =	sld [smem:$0x3FAA]  }
0x30: {  	s3 =	sld [smem:$0x3FAD]  }
0x31: {  	[smem:$0x3FB6] =	sst s10  }
0x32: {  	s10 =	sld [smem:$0x3FB4];
	_ =	sdelay $0x3  }
0x33: {  	p0 =	seq.s32 s10, $0x1;
	s10 =	sld [smem:$0x3FB6];
	_ =	sdelay $0x3  }
0x34: {  	[smem:$0x3FB6] =	sst s10  }
0x35: {  	s10 =	sld [smem:$0x3FB5];
	_ =	sdelay $0x3  }
0x36: {  	p1 =	seq.s32 s10, $0x1;
	s10 =	sld [smem:$0x3FB6];
	_ =	sdelay $0x3  }
0x37: {  	[smem:$0x3FB6] =	sst s10  }
0x38: {  	s10 =	sld [smem:$0x3FB7]  }
0x39: {  	_ = 	snop;
	(pc) =	sbr.ind lr, $3  }
0x3a: {  	_ = 	snop  }
0x3b: {  	_ = 	snop  }
0x3c: {  	p2 =	seq.s32 s10, $0x1;
	s10 =	sld [smem:$0x3FB6]  }
0x3d: {  	_ =	shalt  }
0x3e: {  	_ =	shalt  }
0x3f: {  	_ =	shalt  }
0x40: {  	_ =	shalt  }
0x41: {  	_ =	shalt  }
0x42: {  	_ =	shalt  }
0x43: {  	_ =	shalt  }
0x44: {  	_ =	shalt  }
0x45: {  	_ =	shalt  }
0x46: {  	_ =	shalt  }
0x47: {  	_ =	shalt  }
0x48: {  	_ =	shalt  }
0x49: {  	_ =	shalt  }
0x4a: {  	_ =	shalt  }
0x4b: {  	_ =	shalt  }
0x4c: {  	_ =	shalt  }
0x4d: {  	_ =	shalt  }
0x4e: {  	_ =	shalt  }
0x4f: {  	_ =	shalt  }
0x50: {  	_ =	shalt  }
0x51: {  	_ =	shalt  }
0x52: {  	_ =	shalt  }
0x53: {  	_ =	shalt  }
0x54: {  	_ =	shalt  }
0x55: {  	_ =	shalt  }
0x56: {  	_ =	shalt  }
0x57: {  	_ =	shalt  }
0x58: {  	_ =	shalt  }
0x59: {  	_ =	shalt  }
0x5a: {  	_ =	shalt  }
0x5b: {  	_ =	shalt  }
0x5c: {  	_ =	shalt  }
0x5d: {  	_ =	shalt  }
0x5e: {  	_ =	shalt  }
0x5f: {  	_ =	shalt  }
0x60: {  	_ =	shalt  }
0x61: {  	_ =	shalt  }
0x62: {  	_ =	shalt  }
0x63: {  	_ =	shalt  }
0x64: {  	_ =	shalt  }
0x65: {  	_ =	shalt  }
0x66: {  	_ =	shalt  }
0x67: {  	_ =	shalt  }
0x68: {  	_ =	shalt  }
0x69: {  	_ =	shalt  }
0x6a: {  	_ =	shalt  }
0x6b: {  	_ =	shalt  }
0x6c: {  	_ =	shalt  }
0x6d: {  	_ =	shalt  }
0x6e: {  	_ =	shalt  }
0x6f: {  	_ =	shalt  }
0x70: {  	_ =	shalt  }
0x71: {  	_ =	shalt  }
0x72: {  	_ =	shalt  }
0x73: {  	_ =	shalt  }
0x74: {  	_ =	shalt  }
0x75: {  	_ =	shalt  }
0x76: {  	_ =	shalt  }
0x77: {  	_ =	shalt  }
0x78: {  	_ =	shalt  }
0x79: {  	_ =	shalt  }
0x7a: {  	_ =	shalt  }
0x7b: {  	_ =	shalt  }
0x7c: {  	_ =	shalt  }
0x7d: {  	_ =	shalt  }
0x7e: {  	_ =	shalt  }
0x7f: {  	_ =	shalt  }
0x80: {  	_ =	shalt  }
0x81: {  	_ =	shalt  }
0x82: {  	_ =	shalt  }
0x83: {  	_ =	shalt  }
0x84: {  	_ =	shalt  }
0x85: {  	_ =	shalt  }
0x86: {  	_ =	shalt  }
0x87: {  	_ =	shalt  }
.Lfunc_end0:
.L_simem_size_0:
called_computation_lowered:
.L_overlay_start_0:
0x88: {  	s2 =	sld [smem:$0x3FD9]  }
0x89: {  	s3 =	sld [smem:$0x3FFE];
	_ =	sdelay $0x1  }
0x8a: {  	s1 =	srdreg.scid  }
0x8b: {  	s0 =	sand.u32 $0x1, s1  }
0x8c: {  	s17 =	sshll.u32 s0, $0xA;
	s2 =	sadd.s32 s3, s2  }
0x8d: {  	s2 =	sadd.s32 s2, s17  }
0x8e: {  	[smem:$0x3FC2] =	sst s2  }
0x8f: {  	_ = 	snop  }
0x90: {  	s2 =	sld [smem:$0x3FC9];
	(tm) =	ssettm $0x1  }
0x91: {  	s18 =	sld [smem:$0x3FFB];
	_ =	sdelay $0x3  }
0x92: {  	_ =	strace s18  }
0x93: {  	s3 =	sld [smem:$0x3FFC];
	_ =	sdelay $0x3  }
0x94: {  	_ =	strace s3  }
0x95: {  	s3 =	sld [smem:$0x3FFD];
	_ =	sdelay $0x3  }
0x96: {  	_ =	strace s3  }
0x97: {  	_ =	strace $0x8FFFFFFF  }
0x98: {  	s19 =	sld [smem:$0x3FDB];
	_ =	sdelay $0x1  }
0x99: {  	s4 =	simm.s32 $_scs_section_size  }
0x9a: {  	s5 =	simm.s32 $_size__tile_overlayer_lowered;
	s6 =	simm.s32 $_tile_overlayer_lowered  }
0x9b: {  	s22 =	simm.s32 $0x1BFF;
	s21 =	sshll.u32 s6, $0x1;
	s3 =	sadd.s32 s4, s19  }
0x9c: {  	s7 =	simm.s32 $0x0;
	s20 =	sshll.u32 s5, $0x1;
	s5 =	sadd.s32 s21, s3  }
0x9d: {  	[timem:s7], [sflag:s22] =	dma.local [hbm:s5], s20  }
0x9e: {  	_ =	swait.ge [sflag:s22], s20  }
0x9f: {  	s4 =	ssub.s32 $0x0, s20;
	[sflag:s22] =	ssyncset.done $0x0  }
0xa0: {  	[sflag:s22] =	ssyncadd.s32 s4;
	_ =	sdelay $0x1  }
0xa1: {  	s23 =	simm.s32 $0x1B8B  }
0xa2: {  	_ =	swait.ge [sflag:s23], $0x1  }
0xa3: {  	[sflag:s23] =	ssyncset.done $0x0  }
0xa4: {  	s25 =	simm.s32 $0x1B8E;
	s24 =	sld [smem:$0x3FFE];
	[sflag:s23] =	ssyncadd.s32 $0xFFFFFFFF  }
0xa5: {  	s26 =	simm.s32 $execute0_lowered;
	[smem:$0x3FD2] =	sst s25  }
0xa6: {  	s5 =	sshll.u32 s26, $0x1;
	_ =	strace $0x80000046;
	[dreg:$0x1] =	wrdreg $0xFFFFFFFF  }
0xa7: {  	s28 =	simm.s32 $_size_execute0_lowered;
	s3 =	sadd.s32 s3, s5;
	[dreg:$0x0] =	wrdreg $0x0  }
0xa8: {  	s5 =	sshll.u32 s28, $0x1;
	[dreg:$0x2] =	wrdreg s3  }
0xa9: {  	[dreg:$0x3] =	wrdreg s5  }
0xaa: {  	[dreg:$0x4] =	wrdreg $0xC0  }
0xab: {  	_ =	task [dreg:s7], $0x5FFFF  }
0xac: {  	[dreg:$0x1] =	wrdreg $0xFFFFFFFF  }
0xad: {  	[dreg:$0x0] =	wrdreg $0x60  }
0xae: {  	[dreg:$0x2] =	wrdreg s2  }
0xaf: {  	[dreg:$0x3] =	wrdreg s24  }
0xb0: {  	[dreg:$0x4] =	wrdreg $0x9  }
0xb1: {  	_ =	task.clear_ibuf [dreg:s7], $0x5FFFF;
	_ =	strace $0x90000046  }
0xb2: {  	s29 =	simm.s32 $0x9;
	_ =	strace $0x80000048  }
0xb3: {  	_ =	swait.ge [sflag:s29], $0x1  }
0xb4: {  	[sflag:s29] =	ssyncadd.s32 $0xFFFFFFFF  }
0xb5: {  	_ =	strace $0x90000048  }
0xb6: {  	_ =	sfence  }
0xb7: {  	s30 =	sld [smem:$0x0];
	_ =	sdelay $0x2  }
0xb8: {  	s31 =	sshll.u32 s1, $0xD;
	s1 =	sshrl.u32 s1, $0x2  }
0xb9: {  	s3 =	sand.u32 $0x4000, s31;
	s1 =	sadd.s32 s1, s30  }
0xba: {  	s0 =	sor.u32 s3, s0;
	s1 =	sshll.u32 s1, $0x11  }
0xbb: {  	s0 =	sor.u32 s1, s0  }
0xbc: {  	s0 =	sadd.s32 $0x8F2B, s0  }
0xbd: {  	[sflag:s0] =	ssyncadd.remote.s32 $0x1  }
0xbe: {  	_ =	sfence.sel $0xFFFF  }
0xbf: {  	[dreg:$0x0] =	wrdreg $0xFFFFFFFF;
	(pc) =	sbr.abs _section_cstart, $3  }
0xc0: {  	[dreg:$0x1] =	wrdreg $0xFFFFFFFF  }
0xc1: {  	_ =	task.clear_ibuf [dreg:s7], $0x2FFFF;
	_ =	strace $0x9FFFFFFF  }
0xc2: {  	(tm) =	ssettm $0x7FFFFFFF  }
0xc3: {  	_ =	shalt  }
tec
execute0_lowered:
.L_overlay_start_1:
0x0: {  	(tag) =	ssettag $0x1  }
0x1: {  	s1 =	srdreg.scid  }
0x2: {  	s0 =	stileid.u32;
	s5 =	rddreg [dreg:$0x0]  }
0x3: {  	s6 =	rddreg [dreg:$0x1];
	s26 =	simm.s32 $0x880;
	s10 =	simm.s32 $0x1080  }
0x4: {  	s11 =	simm.s32 $0x1880;
	s12 =	simm.s32 $0x2080;
	s13 =	simm.s32 $0x2880  }
0x5: {  	s14 =	simm.s32 $0x3080;
	s15 =	simm.s32 $0x3880;
	s16 =	simm.s32 $0x4080  }
0x6: {  	s17 =	simm.s32 $0x4880;
	s18 =	simm.s32 $0x5080;
	s19 =	simm.s32 $0x5880  }
0x7: {  	s20 =	simm.s32 $0x6080;
	s21 =	simm.s32 $0x6880;
	s22 =	simm.s32 $0x7080  }
0x8: {  	s23 =	simm.s32 $0x7880;
	s28 =	simm.s32 $0x9880;
	s1 =	sand.u32 $0x1, s1  }
0x9: {  	s29 =	simm.s32 $0xA080;
	s30 =	simm.s32 $0xA880;
	s2 =	sor.u32 s1, s0  }
0xa: {  	p1 =	seq.s32 s1, $0x1;
	s7 =	sshll.u32 s1, $0x6;
	p0 =	seq.s32 s2, $0x0  }
0xb: {  	s8 =	smul.u32 $0xC000, s1;
	s1 =	ssub.s32 $0x2, s1;
	p0 =	por !p0, !p1  }
0xc: {  	s2 =	simm.s32 $0x1;
	s25 =	sshrl.u32 s1, $0x1;
	p0 =	por !p0, !p0  }
0xd: {  	s31 =	simm.s32 $0xB080;
	s1 =	ssub.s32 s1, s25;
	s2 =	simm.s32 @!p0 $0x0  }
0xe: {  	s25 =	simm.s32 $0x8880;
	s3 =	ssub.s32 s0, s2;
	s2 =	simm.s32 $0x0  }
0xf: {  	s4 =	sshll.u32 s3, $0x7;
	s24 =	smul.u32 $0x18000, s3;
	[smem:$0x7FF] =	sst s2  }
0x10: {  	s3 =	simm.s32 $0x1;
	s4 =	sor.u32 s7, s4;
	_ =	strace $0x80000047  }
0x11: {  	[dreg:$0x5] =	wrdreg s26;
	s26 =	simm.s32 $0x9080;
	s4 =	sshrl.u32 s4, $0x3  }
0x12: {  	s7 =	sadd.s32 s8, s24;
	s8 =	simm.s32 $0x2;
	s9 =	sadd.s32 s4, s6  }
0x13: {  	s24 =	simm.s32 $0x8080;
	s7 =	sshrl.u32 s7, $0x3;
	s9 =	sadd.s32 $0x1600, s9  }
0x14: {  	v2 =	vlaneseq.u32;
	s4 =	sadd.s32 $0x1800, s6;
	s5 =	sadd.s32 s5, s7;
	[dreg:$0x3] =	wrdreg s9  }
0x15: {  	vm0 =	vmmov $0xffff;
	v1 =	vshrl.u32 v2, $0x3;
	s7 =	smax.u32 s1, $0x1;
	s1 =	simm.s32 $0xB880;
	[dreg:$0x4] =	wrdreg s5  }
0x16: {  	v0 =	vand.u32 $0x7, v2;
	v2 =	vor.u32 $0x8, v2;
	v1 =	vmul.u32 $0x8, v1;
	s5 =	sadd.s32 $0x1900, s6;
	s6 =	sadd.s32 $0x1A00, s6;
	s9 =	simm.s32 $0x80  }
.LBB2_1:
0x17: {  	s0 =	rddreg [dreg:$0x3]  }
0x18: {  	[tilespmem:s2], [sflag:$0x2] =	stream.linear.gather [hbm4b:s0+s2], $0x40, $0x38;
	[tilespmem:$0xC080] =	vst v63  }
0x19: {  	_ =	swait.ge [sflag:s8], $0x40  }
0x1a: {  	[sflag:s8] =	ssyncset.done $0x0  }
0x1b: {  	s0 =	rddreg [dreg:$0x4];
	[sflag:s8] =	ssyncadd.s32 $0xFFFFFFC0  }
0x1c: {  	[tilespmem:s9], [sflag:$0x2] =	stream.linear.gather [hbm4b:s0+s2], $0xC000, $0x38;
	[tilespmem:$0xC080] =	vst v63  }
0x1d: {  	_ =	swait.ge [sflag:s8], $0xC000  }
0x1e: {  	[sflag:s8] =	ssyncset.done $0x0  }
0x1f: {  	[sflag:s8] =	ssyncadd.s32 $0xFFFF4000  }
0x20: {  	v3 =	vld [tilespmem:$0x0];
	_ =	sdelay $0x4  }
0x21: {  	v4 =	vshrl.u32 v3, $0x3  }
0x22: {  	v4 =	vmul.u32 $0x30, v4  }
0x23: {  	v3 =	vand.u32 $0x7, v3  }
0x24: {  	v3 =	vor.u32 v3, v4  }
0x25: {  	v4 =	vperm.xlane v3, v0;
	_ =	sdelay $0x1  }
0x26: {  	v4 =	vadd.s32 v1, v4;
	_ =	sdelay $0x3  }
0x27: {  	v3 =	vperm.xlane v3, v2  }
0x28: {  	[hbm4b:s4+s2] =	stream.indirect_vreg.scatter [tilespmem:s9], [sflag:$0x1], $0x80, v4, vm0, $0xb8;
	[tilespmem:$0xC080] =	vst v63  }
0x29: {  	s0 =	rddreg [dreg:$0x5];
	v3 =	vadd.s32 v1, v3  }
0x2a: {  	[hbm4b:s5+s2] =	stream.indirect_vreg.scatter [tilespmem:s0], [sflag:$0x1], $0x80, v4, vm0, $0xb8;
	[tilespmem:$0xC080] =	vst v63  }
0x2b: {  	_ = 	snop  }
0x2c: {  	[hbm4b:s6+s2] =	stream.indirect_vreg.scatter [tilespmem:s10], [sflag:$0x1], $0x80, v4, vm0, $0xb8;
	[tilespmem:$0xC080] =	vst v63  }
0x2d: {  	_ = 	snop  }
0x2e: {  	[hbm4b:s4+s2] =	stream.indirect_vreg.scatter [tilespmem:s11], [sflag:$0x1], $0x80, v3, vm0, $0xb8;
	[tilespmem:$0xC080] =	vst v63  }
0x2f: {  	_ = 	snop  }
0x30: {  	[hbm4b:s5+s2] =	stream.indirect_vreg.scatter [tilespmem:s12], [sflag:$0x1], $0x80, v3, vm0, $0xb8;
	[tilespmem:$0xC080] =	vst v63  }
0x31: {  	_ = 	snop  }
0x32: {  	[hbm4b:s6+s2] =	stream.indirect_vreg.scatter [tilespmem:s13], [sflag:$0x1], $0x80, v3, vm0, $0xb8;
	[tilespmem:$0xC080] =	vst v63  }
0x33: {  	v3 =	vld [tilespmem:$0x10];
	_ =	sdelay $0x4  }
0x34: {  	v61 =	vshrl.u32 v3, $0x3  }
0x35: {  	v4 =	vmul.u32 $0x30, v61  }
0x36: {  	v3 =	vand.u32 $0x7, v3  }
0x37: {  	v3 =	vor.u32 v3, v4  }
0x38: {  	v4 =	vperm.xlane v3, v0;
	_ =	sdelay $0x1  }
0x39: {  	v4 =	vadd.s32 v1, v4;
	_ =	sdelay $0x3  }
0x3a: {  	v3 =	vperm.xlane v3, v2  }
0x3b: {  	[hbm4b:s4+s2] =	stream.indirect_vreg.scatter [tilespmem:s14], [sflag:$0x1], $0x80, v4, vm0, $0xb8;
	[tilespmem:$0xC080] =	vst v63  }
0x3c: {  	v3 =	vadd.s32 v1, v3  }
0x3d: {  	[hbm4b:s5+s2] =	stream.indirect_vreg.scatter [tilespmem:s15], [sflag:$0x1], $0x80, v4, vm0, $0xb8;
	[tilespmem:$0xC080] =	vst v63  }
0x3e: {  	_ = 	snop  }
0x3f: {  	[hbm4b:s6+s2] =	stream.indirect_vreg.scatter [tilespmem:s16], [sflag:$0x1], $0x80, v4, vm0, $0xb8;
	[tilespmem:$0xC080] =	vst v63  }
0x40: {  	_ = 	snop  }
0x41: {  	[hbm4b:s4+s2] =	stream.indirect_vreg.scatter [tilespmem:s17], [sflag:$0x1], $0x80, v3, vm0, $0xb8;
	[tilespmem:$0xC080] =	vst v63  }
0x42: {  	_ = 	snop  }
0x43: {  	[hbm4b:s5+s2] =	stream.indirect_vreg.scatter [tilespmem:s18], [sflag:$0x1], $0x80, v3, vm0, $0xb8;
	[tilespmem:$0xC080] =	vst v63  }
0x44: {  	_ = 	snop  }
0x45: {  	[hbm4b:s6+s2] =	stream.indirect_vreg.scatter [tilespmem:s19], [sflag:$0x1], $0x80, v3, vm0, $0xb8;
	[tilespmem:$0xC080] =	vst v63  }
0x46: {  	v3 =	vld [tilespmem:$0x20];
	_ =	sdelay $0x4  }
0x47: {  	v62 =	vshrl.u32 v3, $0x3  }
0x48: {  	v4 =	vmul.u32 $0x30, v62  }
0x49: {  	v3 =	vand.u32 $0x7, v3  }
0x4a: {  	v3 =	vor.u32 v3, v4  }
0x4b: {  	v4 =	vperm.xlane v3, v0;
	_ =	sdelay $0x1  }
0x4c: {  	v4 =	vadd.s32 v1, v4;
	_ =	sdelay $0x3  }
0x4d: {  	v3 =	vperm.xlane v3, v2  }
0x4e: {  	[hbm4b:s4+s2] =	stream.indirect_vreg.scatter [tilespmem:s20], [sflag:$0x1], $0x80, v4, vm0, $0xb8;
	[tilespmem:$0xC080] =	vst v63  }
0x4f: {  	v3 =	vadd.s32 v1, v3  }
0x50: {  	[hbm4b:s5+s2] =	stream.indirect_vreg.scatter [tilespmem:s21], [sflag:$0x1], $0x80, v4, vm0, $0xb8;
	[tilespmem:$0xC080] =	vst v63  }
0x51: {  	_ = 	snop  }
0x52: {  	[hbm4b:s6+s2] =	stream.indirect_vreg.scatter [tilespmem:s22], [sflag:$0x1], $0x80, v4, vm0, $0xb8;
	[tilespmem:$0xC080] =	vst v63  }
0x53: {  	_ = 	snop  }
0x54: {  	[hbm4b:s4+s2] =	stream.indirect_vreg.scatter [tilespmem:s23], [sflag:$0x1], $0x80, v3, vm0, $0xb8;
	[tilespmem:$0xC080] =	vst v63  }
0x55: {  	_ = 	snop  }
0x56: {  	[hbm4b:s5+s2] =	stream.indirect_vreg.scatter [tilespmem:s24], [sflag:$0x1], $0x80, v3, vm0, $0xb8;
	[tilespmem:$0xC080] =	vst v63  }
0x57: {  	_ = 	snop  }
0x58: {  	[hbm4b:s6+s2] =	stream.indirect_vreg.scatter [tilespmem:s25], [sflag:$0x1], $0x80, v3, vm0, $0xb8;
	[tilespmem:$0xC080] =	vst v63  }
0x59: {  	v3 =	vld [tilespmem:$0x30];
	_ =	sdelay $0x4  }
0x5a: {  	v63 =	vshrl.u32 v3, $0x3  }
0x5b: {  	v4 =	vmul.u32 $0x30, v63  }
0x5c: {  	v3 =	vand.u32 $0x7, v3  }
0x5d: {  	v3 =	vor.u32 v3, v4  }
0x5e: {  	v4 =	vperm.xlane v3, v0;
	_ =	sdelay $0x1  }
0x5f: {  	v4 =	vadd.s32 v1, v4;
	_ =	sdelay $0x3  }
0x60: {  	v3 =	vperm.xlane v3, v2  }
0x61: {  	[hbm4b:s4+s2] =	stream.indirect_vreg.scatter [tilespmem:s26], [sflag:$0x1], $0x80, v4, vm0, $0xb8;
	[tilespmem:$0xC080] =	vst v63  }
0x62: {  	v3 =	vadd.s32 v1, v3  }
0x63: {  	[hbm4b:s5+s2] =	stream.indirect_vreg.scatter [tilespmem:s28], [sflag:$0x1], $0x80, v4, vm0, $0xb8;
	[tilespmem:$0xC080] =	vst v63  }
0x64: {  	_ = 	snop  }
0x65: {  	[hbm4b:s6+s2] =	stream.indirect_vreg.scatter [tilespmem:s29], [sflag:$0x1], $0x80, v4, vm0, $0xb8;
	[tilespmem:$0xC080] =	vst v63  }
0x66: {  	_ = 	snop  }
0x67: {  	[hbm4b:s4+s2] =	stream.indirect_vreg.scatter [tilespmem:s30], [sflag:$0x1], $0x80, v3, vm0, $0xb8;
	[tilespmem:$0xC080] =	vst v63  }
0x68: {  	p0 =	sne.s32 s7, $0x1  }
0x69: {  	[hbm4b:s5+s2] =	stream.indirect_vreg.scatter [tilespmem:s31], [sflag:$0x1], $0x80, v3, vm0, $0xb8;
	[tilespmem:$0xC080] =	vst v63  }
.Ltmp0:
0x6a: {  	_ = 	snop;
	(pc) =	sbr.rel @p0 .LBB2_1-.Ltmp0, $4  }
0x6b: {  	[hbm4b:s6+s2] =	stream.indirect_vreg.scatter [tilespmem:s1], [sflag:$0x1], $0x80, v3, vm0, $0xb8;
	[tilespmem:$0xC080] =	vst v63  }
0x6c: {  	_ =	swait.ge [sflag:s3], $0xC000  }
0x6d: {  	[sflag:s3] =	ssyncset.done $0x0  }
0x6e: {  	s7 =	sadd.s32 $0xFFFFFFFF, s7;
	[sflag:s3] =	ssyncadd.s32 $0xFFFF4000  }
0x6f: {  	_ =	sfence.sel $0x180000  }
0x70: {  	[bflag:$0x0] =	sbarrier.arrive $0xFFFF  }
0x71: {  	_ =	strace $0x90000047  }
0x72: {  	s0 =	stileid.u32;
	[bflag:$0x2] =	sbarrier.arrive $0xFFFF  }
0x73: {  	p0 =	sne.s32 s0, $0x0;
	s0 =	rddreg [dreg:$0x2]  }
0x74: {  	s0 =	sadd.s32 @!p0 $0x100000, s0  }
0x75: {  	[sflag:s0] =	ssyncadd.tile.s32 @!p0 $0x1;
	_ =	shalt  }
.Lfunc_end2:
_tile_overlayer_lowered:
.L_overlay_start_2:
0x76: {  	(tag) =	ssettag $0x2  }
0x77: {  	s0 =	rddreg [dreg:$0x0];
	s2 =	stileid.u32  }
0x78: {  	s1 =	rddreg [dreg:$0x1];
	p0 =	sne.s32 s2, $0x0  }
0x79: {  	s3 =	rddreg [dreg:$0x2];
	[bflag:$0x3] =	sbarrier.arrive $0xFFFF;
	s2 =	simm.s32 @!p0 $0x1C02  }
0x7a: {  	[timem:s3], [sflag:s2] =	dma.local @!p0 [hbm:s0], s1  }
0x7b: {  	s0 =	simm.s32 @!p0 $0x2  }
0x7c: {  	_ =	swait.ge @!p0 [sflag:s0], s1  }
0x7d: {  	s1 =	ssub.s32 @!p0 $0x0, s1;
	[sflag:s0] =	ssyncset.done @!p0 $0x0  }
0x7e: {  	[sflag:s0] =	ssyncadd.s32 @!p0 s1  }
0x7f: {  	[bflag:$0x3] =	sbarrier.arrive $0xFFFF  }
0x80: {  	_ =	shalt  }

// kernel: kernel.9.cloned.1.call-start
scs
__scs_entry_jumppad:
0x0: {  	(pc) =	sbr.rel $0x88, $3  }
0x1: {  	(tag) =	ssettag $0x0;
	lr =	simm.s32 $0x1  }
0x2: {  	[smem:$0x3F9B] =	sst lr;
	_ =	strace $0xD0000000  }
0x3: {  	_ = 	snop  }
0x4: {  	_ = 	snop  }
0x5: {  	_ = 	snop  }
0x6: {  	_ = 	snop  }
0x7: {  	_ = 	snop  }
__scs_overlays_trampoline_lowered:
0x8: {  	[smem:$0x3FAA] =	sst s0  }
0x9: {  	[smem:$0x3FAB] =	sst s1  }
0xa: {  	[smem:$0x3FAC] =	sst s2  }
0xb: {  	[smem:$0x3FAD] =	sst s3  }
0xc: {  	[smem:$0x3FAE] =	sst s4  }
0xd: {  	[smem:$0x3FAF] =	sst s5  }
0xe: {  	[smem:$0x3FB0] =	sst s6  }
0xf: {  	[smem:$0x3FB1] =	sst s7  }
0x10: {  	[smem:$0x3FB2] =	sst s8  }
0x11: {  	[smem:$0x3FB3] =	sst s9;
	s0 =	simm.s32 @!p0 $0x0  }
0x12: {  	s1 =	sld [smem:$0x3F99];
	s0 =	simm.s32 @p0 $0x1  }
0x13: {  	[smem:$0x3FB4] =	sst s0;
	s0 =	simm.s32 @!p1 $0x0  }
0x14: {  	s2 =	sld [smem:$0x3F98];
	s0 =	simm.s32 @p1 $0x1  }
0x15: {  	[smem:$0x3FB5] =	sst s0;
	s0 =	simm.s32 @!p2 $0x0  }
0x16: {  	s3 =	sld [smem:$0x3FDB];
	s0 =	simm.s32 @p2 $0x1  }
0x17: {  	s4 =	simm.s32 $0x1BF5;
	[smem:$0x3FB7] =	sst s0  }
0x18: {  	s0 =	sld [smem:$0x3F9A];
	_ =	swait.ge [sflag:s4], $0x0  }
0x19: {  	s7 =	sld [smem:$0x3F9B]  }
0x1a: {  	s8 =	sadd.s32 $0xFFFFE003, lr  }
0x1b: {  	s9 =	sadd.s32 $0xFFFFFEF7, lr;
	s5 =	simm.s32 $0xFFFFFFFF;
	p2 =	slt.u32 s8, $0xFFFFF086  }
0x1c: {  	p1 =	slt.u32 s9, $0xF7A;
	s5 =	simm.s32 @!p2 $0x0  }
0x1d: {  	s5 =	simm.s32 @p1 $0x1;
	p0 =	seq.s32 s7, s2  }
0x1e: {  	s7 =	smul.u32 @!p0 $0xF7A, s2;
	p2 =	seq.s32 @!p0 s5, $0x0  }
0x1f: {  	s9 =	smul.u32 $0xF7A, s1;
	s8 =	simm.s32 @!p0 $0x1BF5;
	p2 =	por !p2, p0  }
0x20: {  	[sflag:s8] =	ssyncset.s32 @!p0 $0xFFFFF086;
	s6 =	sadd.s32 @!p0 s3, s7;
	s7 =	simm.s32 @!p0 $0x108  }
0x21: {  	s3 =	sadd.s32 s3, s9;
	s6 =	sadd.s32 @!p0 $0x88, s6;
	s7 =	simm.s32 @p2 $0x1082  }
0x22: {  	[simem:s7], [sflag:s8] =	dma.local @!p0 [hbm:s6], $0xF7A  }
0x23: {  	s9 =	sor.u32 $0xD0000000, s2;
	s6 =	simm.s32 $0x108;
	_ =	swait.ge @!p0 [sflag:s8], $0x0  }
0x24: {  	s3 =	sadd.s32 $0x88, s3;
	s6 =	simm.s32 @!p1 $0x1082;
	[sflag:s4] =	ssyncset.s32 $0xFFFFF086  }
0x25: {  	[simem:s6], [sflag:s4] =	dma.local [hbm:s3], $0xF7A  }
0x26: {  	[smem:$0x3F9B] =	sst s1;
	(tag) =	ssettag s2;
	_ =	strace s9  }
0x27: {  	s1 =	sld [smem:$0x3FAB]  }
0x28: {  	s2 =	sld [smem:$0x3FAC]  }
0x29: {  	s4 =	sld [smem:$0x3FAE]  }
0x2a: {  	p0 =	seq.s32 s5, $0x0;
	s5 =	sld [smem:$0x3FAF]  }
0x2b: {  	s6 =	sld [smem:$0x3FB0]  }
0x2c: {  	s7 =	sld [smem:$0x3FB1]  }
0x2d: {  	s3 =	simm.s32 $0x108;
	s8 =	sld [smem:$0x3FB2]  }
0x2e: {  	s3 =	simm.s32 @!p0 $0x1082;
	s9 =	sld [smem:$0x3FB3]  }
0x2f: {  	lr =	sadd.s32 s0, s3;
	s0 =	sld [smem:$0x3FAA]  }
0x30: {  	s3 =	sld [smem:$0x3FAD]  }
0x31: {  	[smem:$0x3FB6] =	sst s10  }
0x32: {  	s10 =	sld [smem:$0x3FB4];
	_ =	sdelay $0x3  }
0x33: {  	p0 =	seq.s32 s10, $0x1;
	s10 =	sld [smem:$0x3FB6];
	_ =	sdelay $0x3  }
0x34: {  	[smem:$0x3FB6] =	sst s10  }
0x35: {  	s10 =	sld [smem:$0x3FB5];
	_ =	sdelay $0x3  }
0x36: {  	p1 =	seq.s32 s10, $0x1;
	s10 =	sld [smem:$0x3FB6];
	_ =	sdelay $0x3  }
0x37: {  	[smem:$0x3FB6] =	sst s10  }
0x38: {  	s10 =	sld [smem:$0x3FB7]  }
0x39: {  	_ = 	snop;
	(pc) =	sbr.ind lr, $3  }
0x3a: {  	_ = 	snop  }
0x3b: {  	_ = 	snop  }
0x3c: {  	p2 =	seq.s32 s10, $0x1;
	s10 =	sld [smem:$0x3FB6]  }
0x3d: {  	_ =	shalt  }
0x3e: {  	_ =	shalt  }
0x3f: {  	_ =	shalt  }
0x40: {  	_ =	shalt  }
0x41: {  	_ =	shalt  }
0x42: {  	_ =	shalt  }
0x43: {  	_ =	shalt  }
0x44: {  	_ =	shalt  }
0x45: {  	_ =	shalt  }
0x46: {  	_ =	shalt  }
0x47: {  	_ =	shalt  }
0x48: {  	_ =	shalt  }
0x49: {  	_ =	shalt  }
0x4a: {  	_ =	shalt  }
0x4b: {  	_ =	shalt  }
0x4c: {  	_ =	shalt  }
0x4d: {  	_ =	shalt  }
0x4e: {  	_ =	shalt  }
0x4f: {  	_ =	shalt  }
0x50: {  	_ =	shalt  }
0x51: {  	_ =	shalt  }
0x52: {  	_ =	shalt  }
0x53: {  	_ =	shalt  }
0x54: {  	_ =	shalt  }
0x55: {  	_ =	shalt  }
0x56: {  	_ =	shalt  }
0x57: {  	_ =	shalt  }
0x58: {  	_ =	shalt  }
0x59: {  	_ =	shalt  }
0x5a: {  	_ =	shalt  }
0x5b: {  	_ =	shalt  }
0x5c: {  	_ =	shalt  }
0x5d: {  	_ =	shalt  }
0x5e: {  	_ =	shalt  }
0x5f: {  	_ =	shalt  }
0x60: {  	_ =	shalt  }
0x61: {  	_ =	shalt  }
0x62: {  	_ =	shalt  }
0x63: {  	_ =	shalt  }
0x64: {  	_ =	shalt  }
0x65: {  	_ =	shalt  }
0x66: {  	_ =	shalt  }
0x67: {  	_ =	shalt  }
0x68: {  	_ =	shalt  }
0x69: {  	_ =	shalt  }
0x6a: {  	_ =	shalt  }
0x6b: {  	_ =	shalt  }
0x6c: {  	_ =	shalt  }
0x6d: {  	_ =	shalt  }
0x6e: {  	_ =	shalt  }
0x6f: {  	_ =	shalt  }
0x70: {  	_ =	shalt  }
0x71: {  	_ =	shalt  }
0x72: {  	_ =	shalt  }
0x73: {  	_ =	shalt  }
0x74: {  	_ =	shalt  }
0x75: {  	_ =	shalt  }
0x76: {  	_ =	shalt  }
0x77: {  	_ =	shalt  }
0x78: {  	_ =	shalt  }
0x79: {  	_ =	shalt  }
0x7a: {  	_ =	shalt  }
0x7b: {  	_ =	shalt  }
0x7c: {  	_ =	shalt  }
0x7d: {  	_ =	shalt  }
0x7e: {  	_ =	shalt  }
0x7f: {  	_ =	shalt  }
0x80: {  	_ =	shalt  }
0x81: {  	_ =	shalt  }
0x82: {  	_ =	shalt  }
0x83: {  	_ =	shalt  }
0x84: {  	_ =	shalt  }
0x85: {  	_ =	shalt  }
0x86: {  	_ =	shalt  }
0x87: {  	_ =	shalt  }
.Lfunc_end0:
.L_simem_size_0:
called_computation.1_lowered:
.L_overlay_start_0:
0x88: {  	s2 =	sld [smem:$0x3FD9]  }
0x89: {  	s3 =	sld [smem:$0x3FFE];
	_ =	sdelay $0x1  }
0x8a: {  	s1 =	srdreg.scid  }
0x8b: {  	s0 =	sand.u32 $0x1, s1  }
0x8c: {  	s17 =	sshll.u32 s0, $0xA;
	s2 =	sadd.s32 s3, s2  }
0x8d: {  	s2 =	sadd.s32 s2, s17  }
0x8e: {  	[smem:$0x3FC2] =	sst s2  }
0x8f: {  	_ = 	snop  }
0x90: {  	s2 =	sld [smem:$0x3FD0];
	(tm) =	ssettm $0x1  }
0x91: {  	s18 =	sld [smem:$0x3FFB];
	_ =	sdelay $0x3  }
0x92: {  	_ =	strace s18  }
0x93: {  	s3 =	sld [smem:$0x3FFC];
	_ =	sdelay $0x3  }
0x94: {  	_ =	strace s3  }
0x95: {  	s3 =	sld [smem:$0x3FFD];
	_ =	sdelay $0x3  }
0x96: {  	_ =	strace s3  }
0x97: {  	_ =	strace $0x8FFFFFFF  }
0x98: {  	s19 =	sld [smem:$0x3FDB];
	_ =	sdelay $0x1  }
0x99: {  	s4 =	simm.s32 $_scs_section_size  }
0x9a: {  	s5 =	simm.s32 $_size__tile_overlayer_lowered;
	s6 =	simm.s32 $_tile_overlayer_lowered  }
0x9b: {  	s22 =	simm.s32 $0x1BFF;
	s21 =	sshll.u32 s6, $0x1;
	s3 =	sadd.s32 s4, s19  }
0x9c: {  	s7 =	simm.s32 $0x0;
	s20 =	sshll.u32 s5, $0x1;
	s5 =	sadd.s32 s21, s3  }
0x9d: {  	[timem:s7], [sflag:s22] =	dma.local [hbm:s5], s20  }
0x9e: {  	_ =	swait.ge [sflag:s22], s20  }
0x9f: {  	s4 =	ssub.s32 $0x0, s20;
	[sflag:s22] =	ssyncset.done $0x0  }
0xa0: {  	[sflag:s22] =	ssyncadd.s32 s4;
	_ =	sdelay $0x1  }
0xa1: {  	s23 =	simm.s32 $0x1B8B  }
0xa2: {  	_ =	swait.ge [sflag:s23], $0x1  }
0xa3: {  	[sflag:s23] =	ssyncset.done $0x0  }
0xa4: {  	s25 =	simm.s32 $0x1B8E;
	s24 =	sld [smem:$0x3FFE];
	[sflag:s23] =	ssyncadd.s32 $0xFFFFFFFF  }
0xa5: {  	s26 =	simm.s32 $execute0_lowered;
	[smem:$0x3FD2] =	sst s25  }
0xa6: {  	s5 =	sshll.u32 s26, $0x1;
	_ =	strace $0x80000049;
	[dreg:$0x1] =	wrdreg $0xFFFFFFFF  }
0xa7: {  	s28 =	simm.s32 $_size_execute0_lowered;
	s3 =	sadd.s32 s3, s5;
	[dreg:$0x0] =	wrdreg $0x0  }
0xa8: {  	s5 =	sshll.u32 s28, $0x1;
	[dreg:$0x2] =	wrdreg s3  }
0xa9: {  	[dreg:$0x3] =	wrdreg s5  }
0xaa: {  	[dreg:$0x4] =	wrdreg $0xC0  }
0xab: {  	_ =	task [dreg:s7], $0x5FFFF  }
0xac: {  	[dreg:$0x1] =	wrdreg $0xFFFFFFFF  }
0xad: {  	[dreg:$0x0] =	wrdreg $0x60  }
0xae: {  	[dreg:$0x2] =	wrdreg s24  }
0xaf: {  	[dreg:$0x3] =	wrdreg s2  }
0xb0: {  	[dreg:$0x4] =	wrdreg $0x9  }
0xb1: {  	_ =	task.clear_ibuf [dreg:s7], $0x5FFFF;
	_ =	strace $0x90000049  }
0xb2: {  	s29 =	simm.s32 $0x9;
	_ =	strace $0x8000004B  }
0xb3: {  	_ =	swait.ge [sflag:s29], $0x1  }
0xb4: {  	[sflag:s29] =	ssyncadd.s32 $0xFFFFFFFF  }
0xb5: {  	_ =	strace $0x9000004B  }
0xb6: {  	_ =	sfence  }
0xb7: {  	s30 =	sld [smem:$0x0];
	_ =	sdelay $0x2  }
0xb8: {  	s31 =	sshll.u32 s1, $0xD;
	s1 =	sshrl.u32 s1, $0x2  }
0xb9: {  	s3 =	sand.u32 $0x4000, s31;
	s1 =	sadd.s32 s1, s30  }
0xba: {  	s0 =	sor.u32 s3, s0;
	s1 =	sshll.u32 s1, $0x11  }
0xbb: {  	s0 =	sor.u32 s1, s0  }
0xbc: {  	s0 =	sadd.s32 $0x8F2B, s0  }
0xbd: {  	[sflag:s0] =	ssyncadd.remote.s32 $0x1  }
0xbe: {  	_ =	sfence.sel $0xFFFF  }
0xbf: {  	[dreg:$0x0] =	wrdreg $0xFFFFFFFF;
	(pc) =	sbr.abs _section_cstart, $3  }
0xc0: {  	[dreg:$0x1] =	wrdreg $0xFFFFFFFF  }
0xc1: {  	_ =	task.clear_ibuf [dreg:s7], $0x2FFFF;
	_ =	strace $0x9FFFFFFF  }
0xc2: {  	(tm) =	ssettm $0x7FFFFFFF  }
0xc3: {  	_ =	shalt  }
tec
execute0_lowered:
.L_overlay_start_1:
0x0: {  	(tag) =	ssettag $0x1  }
0x1: {  	s1 =	srdreg.scid;
	s6 =	rddreg [dreg:$0x0]  }
0x2: {  	s0 =	stileid.u32;
	s5 =	rddreg [dreg:$0x1]  }
0x3: {  	s26 =	simm.s32 $0x880;
	s10 =	simm.s32 $0x1080;
	s11 =	simm.s32 $0x1880  }
0x4: {  	s12 =	simm.s32 $0x2080;
	s13 =	simm.s32 $0x2880;
	s14 =	simm.s32 $0x3080  }
0x5: {  	s15 =	simm.s32 $0x3880;
	s16 =	simm.s32 $0x4080;
	s17 =	simm.s32 $0x4880  }
0x6: {  	s18 =	simm.s32 $0x5080;
	s19 =	simm.s32 $0x5880;
	s20 =	simm.s32 $0x6080  }
0x7: {  	s21 =	simm.s32 $0x6880;
	s22 =	simm.s32 $0x7080;
	s23 =	simm.s32 $0x7880  }
0x8: {  	s24 =	simm.s32 $0x8080;
	s28 =	simm.s32 $0x9880;
	s29 =	simm.s32 $0xA080  }
0x9: {  	s30 =	simm.s32 $0xA880;
	s1 =	sand.u32 $0x1, s1;
	s2 =	sshll.u32 s0, $0x1  }
0xa: {  	s31 =	simm.s32 $0xB080;
	s4 =	sor.u32 s1, s2;
	p1 =	seq.s32 s1, $0x1  }
0xb: {  	s2 =	simm.s32 $0x1;
	s7 =	sshll.u32 s1, $0x6;
	p0 =	seq.s32 s4, $0x0  }
0xc: {  	s1 =	ssub.s32 $0x2, s1;
	s8 =	smul.u32 $0x1800, s4;
	p0 =	por !p0, !p1  }
0xd: {  	s4 =	simm.s32 $0x1;
	s9 =	sshrl.u32 s1, $0x1;
	p0 =	por !p0, !p0  }
0xe: {  	s1 =	ssub.s32 s1, s9;
	s9 =	simm.s32 $0x80;
	s2 =	simm.s32 @!p0 $0x0  }
0xf: {  	s25 =	sadd.s32 s5, s8;
	s3 =	ssub.s32 s0, s2;
	s2 =	simm.s32 $0x0  }
0x10: {  	s5 =	sadd.s32 $0x1900, s6;
	s3 =	sshll.u32 s3, $0x7;
	[smem:$0x7FF] =	sst s2  }
0x11: {  	s8 =	simm.s32 $0x2;
	s7 =	sor.u32 s7, s3;
	_ =	strace $0x8000004A  }
0x12: {  	s3 =	sadd.s32 $0x1800, s6;
	[dreg:$0x4] =	wrdreg s25;
	s7 =	sshrl.u32 s7, $0x3  }
0x13: {  	v2 =	vlaneseq.u32;
	[dreg:$0x5] =	wrdreg s26;
	s25 =	simm.s32 $0x8880;
	s7 =	sadd.s32 s7, s6  }
0x14: {  	vm0 =	vmmov $0xffff;
	v1 =	vshrl.u32 v2, $0x3;
	s26 =	simm.s32 $0x9080;
	s6 =	sadd.s32 $0x1A00, s6;
	s7 =	sadd.s32 $0x1600, s7  }
0x15: {  	v0 =	vand.u32 $0x7, v2;
	v2 =	vor.u32 $0x8, v2;
	v1 =	vmul.u32 $0x8, v1;
	[dreg:$0x3] =	wrdreg s7;
	s7 =	smax.u32 s1, $0x1;
	s1 =	simm.s32 $0xB880  }
.LBB2_1:
0x16: {  	s0 =	rddreg [dreg:$0x3]  }
0x17: {  	[tilespmem:s2], [sflag:$0x2] =	stream.linear.gather [hbm4b:s0+s2], $0x40, $0x38;
	[tilespmem:$0xC080] =	vst v63  }
0x18: {  	_ =	swait.ge [sflag:s8], $0x40  }
0x19: {  	[sflag:s8] =	ssyncset.done $0x0  }
0x1a: {  	[sflag:s8] =	ssyncadd.s32 $0xFFFFFFC0  }
0x1b: {  	v3 =	vld [tilespmem:$0x0];
	_ =	sdelay $0x4  }
0x1c: {  	v4 =	vshrl.u32 v3, $0x3  }
0x1d: {  	v4 =	vmul.u32 $0x30, v4  }
0x1e: {  	v3 =	vand.u32 $0x7, v3  }
0x1f: {  	v3 =	vor.u32 v3, v4  }
0x20: {  	v4 =	vperm.xlane v3, v0;
	_ =	sdelay $0x1  }
0x21: {  	v4 =	vadd.s32 v1, v4;
	_ =	sdelay $0x3  }
0x22: {  	v3 =	vperm.xlane v3, v2  }
0x23: {  	[tilespmem:s9], [sflag:$0x1] =	stream.indirect_vreg.gather [hbm4b:s3+s2], $0x80, v4, vm0, $0xb8;
	[tilespmem:$0xC080] =	vst v63  }
0x24: {  	s0 =	rddreg [dreg:$0x5];
	v3 =	vadd.s32 v1, v3  }
0x25: {  	[tilespmem:s0], [sflag:$0x1] =	stream.indirect_vreg.gather [hbm4b:s5+s2], $0x80, v4, vm0, $0xb8;
	[tilespmem:$0xC080] =	vst v63  }
0x26: {  	_ = 	snop  }
0x27: {  	[tilespmem:s10], [sflag:$0x1] =	stream.indirect_vreg.gather [hbm4b:s6+s2], $0x80, v4, vm0, $0xb8;
	[tilespmem:$0xC080] =	vst v63  }
0x28: {  	_ = 	snop  }
0x29: {  	[tilespmem:s11], [sflag:$0x1] =	stream.indirect_vreg.gather [hbm4b:s3+s2], $0x80, v3, vm0, $0xb8;
	[tilespmem:$0xC080] =	vst v63  }
0x2a: {  	_ = 	snop  }
0x2b: {  	[tilespmem:s12], [sflag:$0x1] =	stream.indirect_vreg.gather [hbm4b:s5+s2], $0x80, v3, vm0, $0xb8;
	[tilespmem:$0xC080] =	vst v63  }
0x2c: {  	_ = 	snop  }
0x2d: {  	[tilespmem:s13], [sflag:$0x1] =	stream.indirect_vreg.gather [hbm4b:s6+s2], $0x80, v3, vm0, $0xb8;
	[tilespmem:$0xC080] =	vst v63  }
0x2e: {  	v3 =	vld [tilespmem:$0x10];
	_ =	sdelay $0x4  }
0x2f: {  	v61 =	vshrl.u32 v3, $0x3  }
0x30: {  	v4 =	vmul.u32 $0x30, v61  }
0x31: {  	v3 =	vand.u32 $0x7, v3  }
0x32: {  	v3 =	vor.u32 v3, v4  }
0x33: {  	v4 =	vperm.xlane v3, v0;
	_ =	sdelay $0x1  }
0x34: {  	v4 =	vadd.s32 v1, v4;
	_ =	sdelay $0x3  }
0x35: {  	v3 =	vperm.xlane v3, v2  }
0x36: {  	[tilespmem:s14], [sflag:$0x1] =	stream.indirect_vreg.gather [hbm4b:s3+s2], $0x80, v4, vm0, $0xb8;
	[tilespmem:$0xC080] =	vst v63  }
0x37: {  	v3 =	vadd.s32 v1, v3  }
0x38: {  	[tilespmem:s15], [sflag:$0x1] =	stream.indirect_vreg.gather [hbm4b:s5+s2], $0x80, v4, vm0, $0xb8;
	[tilespmem:$0xC080] =	vst v63  }
0x39: {  	_ = 	snop  }
0x3a: {  	[tilespmem:s16], [sflag:$0x1] =	stream.indirect_vreg.gather [hbm4b:s6+s2], $0x80, v4, vm0, $0xb8;
	[tilespmem:$0xC080] =	vst v63  }
0x3b: {  	_ = 	snop  }
0x3c: {  	[tilespmem:s17], [sflag:$0x1] =	stream.indirect_vreg.gather [hbm4b:s3+s2], $0x80, v3, vm0, $0xb8;
	[tilespmem:$0xC080] =	vst v63  }
0x3d: {  	_ = 	snop  }
0x3e: {  	[tilespmem:s18], [sflag:$0x1] =	stream.indirect_vreg.gather [hbm4b:s5+s2], $0x80, v3, vm0, $0xb8;
	[tilespmem:$0xC080] =	vst v63  }
0x3f: {  	_ = 	snop  }
0x40: {  	[tilespmem:s19], [sflag:$0x1] =	stream.indirect_vreg.gather [hbm4b:s6+s2], $0x80, v3, vm0, $0xb8;
	[tilespmem:$0xC080] =	vst v63  }
0x41: {  	v3 =	vld [tilespmem:$0x20];
	_ =	sdelay $0x4  }
0x42: {  	v62 =	vshrl.u32 v3, $0x3  }
0x43: {  	v4 =	vmul.u32 $0x30, v62  }
0x44: {  	v3 =	vand.u32 $0x7, v3  }
0x45: {  	v3 =	vor.u32 v3, v4  }
0x46: {  	v4 =	vperm.xlane v3, v0;
	_ =	sdelay $0x1  }
0x47: {  	v4 =	vadd.s32 v1, v4;
	_ =	sdelay $0x3  }
0x48: {  	v3 =	vperm.xlane v3, v2  }
0x49: {  	[tilespmem:s20], [sflag:$0x1] =	stream.indirect_vreg.gather [hbm4b:s3+s2], $0x80, v4, vm0, $0xb8;
	[tilespmem:$0xC080] =	vst v63  }
0x4a: {  	v3 =	vadd.s32 v1, v3  }
0x4b: {  	[tilespmem:s21], [sflag:$0x1] =	stream.indirect_vreg.gather [hbm4b:s5+s2], $0x80, v4, vm0, $0xb8;
	[tilespmem:$0xC080] =	vst v63  }
0x4c: {  	_ = 	snop  }
0x4d: {  	[tilespmem:s22], [sflag:$0x1] =	stream.indirect_vreg.gather [hbm4b:s6+s2], $0x80, v4, vm0, $0xb8;
	[tilespmem:$0xC080] =	vst v63  }
0x4e: {  	_ = 	snop  }
0x4f: {  	[tilespmem:s23], [sflag:$0x1] =	stream.indirect_vreg.gather [hbm4b:s3+s2], $0x80, v3, vm0, $0xb8;
	[tilespmem:$0xC080] =	vst v63  }
0x50: {  	_ = 	snop  }
0x51: {  	[tilespmem:s24], [sflag:$0x1] =	stream.indirect_vreg.gather [hbm4b:s5+s2], $0x80, v3, vm0, $0xb8;
	[tilespmem:$0xC080] =	vst v63  }
0x52: {  	_ = 	snop  }
0x53: {  	[tilespmem:s25], [sflag:$0x1] =	stream.indirect_vreg.gather [hbm4b:s6+s2], $0x80, v3, vm0, $0xb8;
	[tilespmem:$0xC080] =	vst v63  }
0x54: {  	v3 =	vld [tilespmem:$0x30];
	_ =	sdelay $0x4  }
0x55: {  	v63 =	vshrl.u32 v3, $0x3  }
0x56: {  	v4 =	vmul.u32 $0x30, v63  }
0x57: {  	v3 =	vand.u32 $0x7, v3  }
0x58: {  	v3 =	vor.u32 v3, v4  }
0x59: {  	v4 =	vperm.xlane v3, v0;
	_ =	sdelay $0x1  }
0x5a: {  	v4 =	vadd.s32 v1, v4;
	_ =	sdelay $0x3  }
0x5b: {  	v3 =	vperm.xlane v3, v2  }
0x5c: {  	[tilespmem:s26], [sflag:$0x1] =	stream.indirect_vreg.gather [hbm4b:s3+s2], $0x80, v4, vm0, $0xb8;
	[tilespmem:$0xC080] =	vst v63  }
0x5d: {  	v3 =	vadd.s32 v1, v3  }
0x5e: {  	[tilespmem:s28], [sflag:$0x1] =	stream.indirect_vreg.gather [hbm4b:s5+s2], $0x80, v4, vm0, $0xb8;
	[tilespmem:$0xC080] =	vst v63  }
0x5f: {  	_ = 	snop  }
0x60: {  	[tilespmem:s29], [sflag:$0x1] =	stream.indirect_vreg.gather [hbm4b:s6+s2], $0x80, v4, vm0, $0xb8;
	[tilespmem:$0xC080] =	vst v63  }
0x61: {  	_ = 	snop  }
0x62: {  	[tilespmem:s30], [sflag:$0x1] =	stream.indirect_vreg.gather [hbm4b:s3+s2], $0x80, v3, vm0, $0xb8;
	[tilespmem:$0xC080] =	vst v63  }
0x63: {  	_ = 	snop  }
0x64: {  	[tilespmem:s31], [sflag:$0x1] =	stream.indirect_vreg.gather [hbm4b:s5+s2], $0x80, v3, vm0, $0xb8;
	[tilespmem:$0xC080] =	vst v63  }
0x65: {  	_ = 	snop  }
0x66: {  	[tilespmem:s1], [sflag:$0x1] =	stream.indirect_vreg.gather [hbm4b:s6+s2], $0x80, v3, vm0, $0xb8;
	[tilespmem:$0xC080] =	vst v63  }
0x67: {  	_ =	swait.ge [sflag:s4], $0xC000  }
0x68: {  	p0 =	sne.s32 s7, $0x1;
	[sflag:s4] =	ssyncset.done $0x0  }
.Ltmp0:
0x69: {  	s0 =	rddreg [dreg:$0x4];
	[sflag:s4] =	ssyncadd.s32 $0xFFFF4000;
	(pc) =	sbr.rel @p0 .LBB2_1-.Ltmp0, $4  }
0x6a: {  	[hbm4b:s0+s2] =	stream.linear.scatter [tilespmem:s9], [sflag:$0x2], $0xC000, $0x38;
	[tilespmem:$0xC080] =	vst v63  }
0x6b: {  	_ =	swait.ge [sflag:s8], $0xC000  }
0x6c: {  	[sflag:s8] =	ssyncset.done $0x0  }
0x6d: {  	s7 =	sadd.s32 $0xFFFFFFFF, s7;
	[sflag:s8] =	ssyncadd.s32 $0xFFFF4000  }
0x6e: {  	_ =	sfence.sel $0x180000  }
0x6f: {  	[bflag:$0x0] =	sbarrier.arrive $0xFFFF  }
0x70: {  	_ =	strace $0x9000004A  }
0x71: {  	s0 =	stileid.u32;
	[bflag:$0x2] =	sbarrier.arrive $0xFFFF  }
0x72: {  	p0 =	sne.s32 s0, $0x0;
	s0 =	rddreg [dreg:$0x2]  }
0x73: {  	s0 =	sadd.s32 @!p0 $0x100000, s0  }
0x74: {  	[sflag:s0] =	ssyncadd.tile.s32 @!p0 $0x1;
	_ =	shalt  }
.Lfunc_end2:
_tile_overlayer_lowered:
.L_overlay_start_2:
0x75: {  	(tag) =	ssettag $0x2  }
0x76: {  	s0 =	rddreg [dreg:$0x0];
	s2 =	stileid.u32  }
0x77: {  	s1 =	rddreg [dreg:$0x1];
	p0 =	sne.s32 s2, $0x0  }
0x78: {  	s3 =	rddreg [dreg:$0x2];
	[bflag:$0x3] =	sbarrier.arrive $0xFFFF;
	s2 =	simm.s32 @!p0 $0x1C02  }
0x79: {  	[timem:s3], [sflag:s2] =	dma.local @!p0 [hbm:s0], s1  }
0x7a: {  	s0 =	simm.s32 @!p0 $0x2  }
0x7b: {  	_ =	swait.ge @!p0 [sflag:s0], s1  }
0x7c: {  	s1 =	ssub.s32 @!p0 $0x0, s1;
	[sflag:s0] =	ssyncset.done @!p0 $0x0  }
0x7d: {  	[sflag:s0] =	ssyncadd.s32 @!p0 s1  }
0x7e: {  	[bflag:$0x3] =	sbarrier.arrive $0xFFFF  }
0x7f: {  	_ =	shalt  }

</sc_bundles>
